<compile_context>
chip_gen: v7x
topology: tpu7x:2x2x1
jax: 0.10.2.dev20260603
libtpu: 0.0.44.dev20260713+nightly
codegen_flags: <defaults>
</compile_context>

<pallas_src>
import functools

import jax
import jax.numpy as jnp
from jax import lax
from jax.experimental import pallas as pl
from jax.experimental.pallas import tpu as pltpu
from jax.experimental.pallas import tpu_sc as plsc

BATCH = 16384
EMBED_DIM = 128
LANES = 16
CHUNK = 128


def _make_mf_kernel(num_cores, num_subcores):
    num_workers = num_cores * num_subcores
    per_worker = BATCH // num_workers
    n_chunks = per_worker // CHUNK
    mesh = plsc.VectorSubcoreMesh(core_axis_name="c", subcore_axis_name="s")

    @functools.partial(
        pl.kernel,
        out_type=(
            jax.ShapeDtypeStruct((BATCH,), jnp.float32),
            jax.ShapeDtypeStruct((BATCH,), jnp.float32),
        ),
        mesh=mesh,
        compiler_params=pltpu.CompilerParams(needs_layout_passes=False),
        scratch_types=[
            pltpu.VMEM((per_worker,), jnp.int32),
            pltpu.VMEM((per_worker,), jnp.int32),
            pltpu.VMEM((per_worker,), jnp.int32),
            pltpu.VMEM((2, CHUNK, EMBED_DIM), jnp.float32),
            pltpu.VMEM((2, CHUNK, EMBED_DIM), jnp.float32),
            pltpu.VMEM((2, CHUNK, EMBED_DIM), jnp.float32),
            pltpu.VMEM((per_worker,), jnp.float32),
            pltpu.VMEM((per_worker,), jnp.float32),
            pltpu.SemaphoreType.DMA,
            pltpu.SemaphoreType.DMA,
            pltpu.SemaphoreType.DMA,
        ],
    )
    def mf(user_h, pos_h, neg_h, utab_h, itab_h, pos_out_h, neg_out_h,
           idx_u, idx_p, idx_n, ubuf, pbuf, nbuf, pov, nov, sem0, sem1, sem2):
        cid = lax.axis_index("c")
        sid = lax.axis_index("s")
        wid = sid * num_cores + cid
        base = wid * per_worker

        sems = (sem0, sem1)

        hi = (
            pltpu.async_copy(user_h.at[pl.ds(base, per_worker)], idx_u, sem0),
            pltpu.async_copy(pos_h.at[pl.ds(base, per_worker)], idx_p, sem0),
            pltpu.async_copy(neg_h.at[pl.ds(base, per_worker)], idx_n, sem0),
        )
        for h in hi:
            h.wait()

        sizes = [CHUNK] * n_chunks
        offs = [sum(sizes[:i]) for i in range(len(sizes))]
        assert sum(sizes) == per_worker

        def start(i):
            b = i % 2
            off, size = offs[i], sizes[i]
            s = pl.ds(off, size)
            d = pl.ds(0, size)
            return (
                pltpu.async_copy(utab_h.at[idx_u.at[s]], ubuf.at[b, d], sems[b]),
                pltpu.async_copy(itab_h.at[idx_p.at[s]], pbuf.at[b, d], sems[b]),
                pltpu.async_copy(itab_h.at[idx_n.at[s]], nbuf.at[b, d], sems[b]),
            )

        lane_iota = lax.iota(jnp.int32, LANES)

        def compute(i):
            b = i % 2
            off, size = offs[i], sizes[i]

            @plsc.parallel_loop(0, size // LANES, unroll=1)
            def group(g):
                def sub(s, pvnv):
                    pv, nv = pvnv
                    r = g * LANES + s
                    uu = ubuf[b, r, pl.ds(0, LANES)]
                    accp = uu * pbuf[b, r, pl.ds(0, LANES)]
                    accn = uu * nbuf[b, r, pl.ds(0, LANES)]
                    for k in range(1, EMBED_DIM // LANES):
                        uu = ubuf[b, r, pl.ds(k * LANES, LANES)]
                        accp += uu * pbuf[b, r, pl.ds(k * LANES, LANES)]
                        accn += uu * nbuf[b, r, pl.ds(k * LANES, LANES)]
                    pv = jnp.where(lane_iota == s, jnp.sum(accp), pv)
                    nv = jnp.where(lane_iota == s, jnp.sum(accn), nv)
                    return (pv, nv)

                zero = jnp.zeros((LANES,), jnp.float32)
                pv, nv = lax.fori_loop(0, LANES, sub, (zero, zero))
                pov[pl.ds(off + g * LANES, LANES)] = pv
                nov[pl.ds(off + g * LANES, LANES)] = nv

        handles = {}
        out_handles = []
        handles[0] = start(0)
        for i in range(len(sizes)):
            if i + 1 < len(sizes):
                handles[(i + 1) % 2] = start(i + 1)
            for h in handles[i % 2]:
                h.wait()
            compute(i)
            s = pl.ds(offs[i], sizes[i])
            d = pl.ds(base + offs[i], sizes[i])
            out_handles.append(
                pltpu.async_copy(pov.at[s], pos_out_h.at[d], sem2))
            out_handles.append(
                pltpu.async_copy(nov.at[s], neg_out_h.at[d], sem2))
        for h in out_handles:
            h.wait()

    return mf


def kernel(user, pos_item, neg_item, user_table, item_table):
    info = plsc.get_sparse_core_info()
    mf = _make_mf_kernel(info.num_cores, info.num_subcores)
    pos_score, neg_score = mf(user, pos_item, neg_item, user_table, item_table)
    return (pos_score, neg_score)

# --- scband reference (transcript-rebuilt; emitter-appended) ---
"""Pipeline reference for scband-mf-19292993093719 (READ-ONLY COPY).

The authoritative reference and input builder live on the scoring server;
editing this copy changes nothing except your own understanding.
"""

import jax, jax.numpy as jnp
import numpy as np

NUM_USERS = 100000
NUM_ITEMS = 100000
EMBED_DIM = 128
BATCH = 16384


def setup_inputs(seed: int = 0) -> dict:
    key = jax.random.key(seed)
    k1, k2, k3, k4, k5 = jax.random.split(key, 5)
    user = jax.random.randint(k1, (BATCH,), 0, NUM_USERS, dtype=jnp.int64 if jax.config.jax_enable_x64 else jnp.int32)
    pos_item = jax.random.randint(k2, (BATCH,), 0, NUM_ITEMS, dtype=jnp.int64 if jax.config.jax_enable_x64 else jnp.int32)
    neg_item = jax.random.randint(k3, (BATCH,), 0, NUM_ITEMS, dtype=jnp.int64 if jax.config.jax_enable_x64 else jnp.int32)
    user_table = jax.random.normal(k4, (NUM_USERS, EMBED_DIM), dtype=jnp.float32)
    item_table = jax.random.normal(k5, (NUM_ITEMS, EMBED_DIM), dtype=jnp.float32)
    return {"user": user, "pos_item": pos_item, "neg_item": neg_item, "user_table": user_table, "item_table": item_table}


def reference(user, pos_item, neg_item, user_table, item_table):
    user_emb = jnp.take(user_table, user, axis=0)
    pos_item_emb = jnp.take(item_table, pos_item, axis=0)
    neg_item_emb = jnp.take(item_table, neg_item, axis=0)
    pos_score = jnp.sum(user_emb * pos_item_emb, axis=-1)
    neg_score = jnp.sum(user_emb * neg_item_emb, axis=-1)
    return (pos_score, neg_score)

if __name__ == "__main__":
    import jax
    _d = setup_inputs()
    print(jax.jit(kernel)(*tuple(_d.values())))

</pallas_src>

<mosaic_0001>
#map = affine_map<(d0, d1) -> (0)>
#map1 = affine_map<(d0, d1) -> (0, 0)>
module attributes {stable_mosaic.version = 14 : i64} {
  func.func @mf(%arg0: i32, %arg1: i32, %arg2: memref<16384xi32, #tpu.memory_space<hbm>>, %arg3: memref<16384xi32, #tpu.memory_space<hbm>>, %arg4: memref<16384xi32, #tpu.memory_space<hbm>>, %arg5: memref<100000x128xf32, #tpu.memory_space<hbm>>, %arg6: memref<100000x128xf32, #tpu.memory_space<hbm>>, %arg7: memref<16384xf32, #tpu.memory_space<hbm>>, %arg8: memref<16384xf32, #tpu.memory_space<hbm>>, %arg9: memref<512xi32, #tpu.memory_space<vmem>>, %arg10: memref<512xi32, #tpu.memory_space<vmem>>, %arg11: memref<512xi32, #tpu.memory_space<vmem>>, %arg12: memref<2x128x128xf32, #tpu.memory_space<vmem>>, %arg13: memref<2x128x128xf32, #tpu.memory_space<vmem>>, %arg14: memref<2x128x128xf32, #tpu.memory_space<vmem>>, %arg15: memref<512xf32, #tpu.memory_space<vmem>>, %arg16: memref<512xf32, #tpu.memory_space<vmem>>, %arg17: memref<!tpu.dma_semaphore, #tpu.memory_space<semaphore_mem>>, %arg18: memref<!tpu.dma_semaphore, #tpu.memory_space<semaphore_mem>>, %arg19: memref<!tpu.dma_semaphore, #tpu.memory_space<semaphore_mem>>) attributes {dimension_semantics = [#tpu.dimension_semantics<core_parallel>, #tpu.dimension_semantics<subcore_parallel>], iteration_bounds = array<i64: 2, 16>, scalar_prefetch = 0 : i64, scratch_operands = 11 : i64, tpu.core_type = #tpu.core_type<sc_vector_subcore>, window_params = [{transform_indices = #map}, {transform_indices = #map}, {transform_indices = #map}, {transform_indices = #map1}, {transform_indices = #map1}, {transform_indices = #map}, {transform_indices = #map}]} {
    %mul3A = arith.constant 2 : i32
    %mul3A_0 = arith.muli %arg1, %mul3A : i32
    %add3A = arith.addi %mul3A_0, %arg0 : i32
    %mul3A_1 = arith.constant 512 : i32
    %mul3A_2 = arith.muli %add3A, %mul3A_1 : i32
    %dma_start3A = tpu.memref_slice %arg2[%mul3A_2] : memref<16384xi32, #tpu.memory_space<hbm>> -> memref<512xi32, #tpu.memory_space<hbm>>
    %dma_start3A_3 = tpu.memref_slice %arg2[%mul3A_2] : memref<16384xi32, #tpu.memory_space<hbm>> -> memref<512xi32, #tpu.memory_space<hbm>>
    tpu.enqueue_dma source(%dma_start3A_3 : memref<512xi32, #tpu.memory_space<hbm>>) target(%arg9 : memref<512xi32, #tpu.memory_space<vmem>>) target_semaphore(%arg17 : memref<!tpu.dma_semaphore, #tpu.memory_space<semaphore_mem>>)
    %dma_start3A_4 = tpu.memref_slice %arg3[%mul3A_2] : memref<16384xi32, #tpu.memory_space<hbm>> -> memref<512xi32, #tpu.memory_space<hbm>>
    %dma_start3A_5 = tpu.memref_slice %arg3[%mul3A_2] : memref<16384xi32, #tpu.memory_space<hbm>> -> memref<512xi32, #tpu.memory_space<hbm>>
    tpu.enqueue_dma source(%dma_start3A_5 : memref<512xi32, #tpu.memory_space<hbm>>) target(%arg10 : memref<512xi32, #tpu.memory_space<vmem>>) target_semaphore(%arg17 : memref<!tpu.dma_semaphore, #tpu.memory_space<semaphore_mem>>)
    %dma_start3A_6 = tpu.memref_slice %arg4[%mul3A_2] : memref<16384xi32, #tpu.memory_space<hbm>> -> memref<512xi32, #tpu.memory_space<hbm>>
    %dma_start3A_7 = tpu.memref_slice %arg4[%mul3A_2] : memref<16384xi32, #tpu.memory_space<hbm>> -> memref<512xi32, #tpu.memory_space<hbm>>
    tpu.enqueue_dma source(%dma_start3A_7 : memref<512xi32, #tpu.memory_space<hbm>>) target(%arg11 : memref<512xi32, #tpu.memory_space<vmem>>) target_semaphore(%arg17 : memref<!tpu.dma_semaphore, #tpu.memory_space<semaphore_mem>>)
    %dma_wait3A = tpu.memref_slice %arg2[%mul3A_2] : memref<16384xi32, #tpu.memory_space<hbm>> -> memref<512xi32, #tpu.memory_space<hbm>>
    %dma_wait3A_8 = tpu.memref_slice %arg2[%mul3A_2] : memref<16384xi32, #tpu.memory_space<hbm>> -> memref<512xi32, #tpu.memory_space<hbm>>
    tpu.wait_dma2 semaphore(%arg17 : memref<!tpu.dma_semaphore, #tpu.memory_space<semaphore_mem>>) src(%dma_wait3A_8 : memref<512xi32, #tpu.memory_space<hbm>>) dst(%arg9 : memref<512xi32, #tpu.memory_space<vmem>>)
    %dma_wait3A_9 = tpu.memref_slice %arg3[%mul3A_2] : memref<16384xi32, #tpu.memory_space<hbm>> -> memref<512xi32, #tpu.memory_space<hbm>>
    %dma_wait3A_10 = tpu.memref_slice %arg3[%mul3A_2] : memref<16384xi32, #tpu.memory_space<hbm>> -> memref<512xi32, #tpu.memory_space<hbm>>
    tpu.wait_dma2 semaphore(%arg17 : memref<!tpu.dma_semaphore, #tpu.memory_space<semaphore_mem>>) src(%dma_wait3A_10 : memref<512xi32, #tpu.memory_space<hbm>>) dst(%arg10 : memref<512xi32, #tpu.memory_space<vmem>>)
    %dma_wait3A_11 = tpu.memref_slice %arg4[%mul3A_2] : memref<16384xi32, #tpu.memory_space<hbm>> -> memref<512xi32, #tpu.memory_space<hbm>>
    %dma_wait3A_12 = tpu.memref_slice %arg4[%mul3A_2] : memref<16384xi32, #tpu.memory_space<hbm>> -> memref<512xi32, #tpu.memory_space<hbm>>
    tpu.wait_dma2 semaphore(%arg17 : memref<!tpu.dma_semaphore, #tpu.memory_space<semaphore_mem>>) src(%dma_wait3A_12 : memref<512xi32, #tpu.memory_space<hbm>>) dst(%arg11 : memref<512xi32, #tpu.memory_space<vmem>>)
    %iota3A = tpu.iota {dimensions = array<i32: 0>} : vector<16xi32>
    %dma_start3A_13 = arith.constant 0 : i32
    %dma_start3A_14 = arith.constant 0 : i32
    %dma_start3A_15 = arith.constant 0 : i32
    %dma_start3A_16 = tpu.memref_slice %arg12[%dma_start3A_13, %dma_start3A_14, %dma_start3A_15] : memref<2x128x128xf32, #tpu.memory_space<vmem>> -> memref<1x128x128xf32, #tpu.memory_space<vmem>>
    %dma_start3A_17 = tpu.memref_squeeze %dma_start3A_16 : memref<1x128x128xf32, #tpu.memory_space<vmem>> -> memref<128x128xf32, #tpu.memory_space<vmem>>
    %dma_start3A_18 = arith.constant 0 : i32
    %dma_start3A_19 = tpu.memref_slice %arg9[%dma_start3A_18] : memref<512xi32, #tpu.memory_space<vmem>> -> memref<128xi32, #tpu.memory_space<vmem>>
    %dma_start3A_20 = arith.constant 0 : i32
    %dma_start3A_21 = arith.constant 0 : i32
    %dma_start3A_22 = tpu.memref_slice %arg5[%dma_start3A_20, %dma_start3A_21] : memref<100000x128xf32, #tpu.memory_space<hbm>> -> memref<100000x128xf32, #tpu.memory_space<hbm>>
    tpu.enqueue_indirect_dma source(%dma_start3A_22 : memref<100000x128xf32, #tpu.memory_space<hbm>>) target(%dma_start3A_17 : memref<128x128xf32, #tpu.memory_space<vmem>>) offsets(%dma_start3A_19 : memref<128xi32, #tpu.memory_space<vmem>>) semaphore(%arg17 : memref<!tpu.dma_semaphore, #tpu.memory_space<semaphore_mem>>)
    %dma_start3A_23 = arith.constant 0 : i32
    %dma_start3A_24 = arith.constant 0 : i32
    %dma_start3A_25 = arith.constant 0 : i32
    %dma_start3A_26 = tpu.memref_slice %arg13[%dma_start3A_23, %dma_start3A_24, %dma_start3A_25] : memref<2x128x128xf32, #tpu.memory_space<vmem>> -> memref<1x128x128xf32, #tpu.memory_space<vmem>>
    %dma_start3A_27 = tpu.memref_squeeze %dma_start3A_26 : memref<1x128x128xf32, #tpu.memory_space<vmem>> -> memref<128x128xf32, #tpu.memory_space<vmem>>
    %dma_start3A_28 = arith.constant 0 : i32
    %dma_start3A_29 = tpu.memref_slice %arg10[%dma_start3A_28] : memref<512xi32, #tpu.memory_space<vmem>> -> memref<128xi32, #tpu.memory_space<vmem>>
    %dma_start3A_30 = arith.constant 0 : i32
    %dma_start3A_31 = arith.constant 0 : i32
    %dma_start3A_32 = tpu.memref_slice %arg6[%dma_start3A_30, %dma_start3A_31] : memref<100000x128xf32, #tpu.memory_space<hbm>> -> memref<100000x128xf32, #tpu.memory_space<hbm>>
    tpu.enqueue_indirect_dma source(%dma_start3A_32 : memref<100000x128xf32, #tpu.memory_space<hbm>>) target(%dma_start3A_27 : memref<128x128xf32, #tpu.memory_space<vmem>>) offsets(%dma_start3A_29 : memref<128xi32, #tpu.memory_space<vmem>>) semaphore(%arg17 : memref<!tpu.dma_semaphore, #tpu.memory_space<semaphore_mem>>)
    %dma_start3A_33 = arith.constant 0 : i32
    %dma_start3A_34 = arith.constant 0 : i32
    %dma_start3A_35 = arith.constant 0 : i32
    %dma_start3A_36 = tpu.memref_slice %arg14[%dma_start3A_33, %dma_start3A_34, %dma_start3A_35] : memref<2x128x128xf32, #tpu.memory_space<vmem>> -> memref<1x128x128xf32, #tpu.memory_space<vmem>>
    %dma_start3A_37 = tpu.memref_squeeze %dma_start3A_36 : memref<1x128x128xf32, #tpu.memory_space<vmem>> -> memref<128x128xf32, #tpu.memory_space<vmem>>
    %dma_start3A_38 = arith.constant 0 : i32
    %dma_start3A_39 = tpu.memref_slice %arg11[%dma_start3A_38] : memref<512xi32, #tpu.memory_space<vmem>> -> memref<128xi32, #tpu.memory_space<vmem>>
    %dma_start3A_40 = arith.constant 0 : i32
    %dma_start3A_41 = arith.constant 0 : i32
    %dma_start3A_42 = tpu.memref_slice %arg6[%dma_start3A_40, %dma_start3A_41] : memref<100000x128xf32, #tpu.memory_space<hbm>> -> memref<100000x128xf32, #tpu.memory_space<hbm>>
    tpu.enqueue_indirect_dma source(%dma_start3A_42 : memref<100000x128xf32, #tpu.memory_space<hbm>>) target(%dma_start3A_37 : memref<128x128xf32, #tpu.memory_space<vmem>>) offsets(%dma_start3A_39 : memref<128xi32, #tpu.memory_space<vmem>>) semaphore(%arg17 : memref<!tpu.dma_semaphore, #tpu.memory_space<semaphore_mem>>)
    %dma_start3A_43 = arith.constant 1 : i32
    %dma_start3A_44 = arith.constant 0 : i32
    %dma_start3A_45 = arith.constant 0 : i32
    %dma_start3A_46 = tpu.memref_slice %arg12[%dma_start3A_43, %dma_start3A_44, %dma_start3A_45] : memref<2x128x128xf32, #tpu.memory_space<vmem>> -> memref<1x128x128xf32, #tpu.memory_space<vmem>>
    %dma_start3A_47 = tpu.memref_squeeze %dma_start3A_46 : memref<1x128x128xf32, #tpu.memory_space<vmem>> -> memref<128x128xf32, #tpu.memory_space<vmem>>
    %dma_start3A_48 = arith.constant 128 : i32
    %dma_start3A_49 = tpu.memref_slice %arg9[%dma_start3A_48] : memref<512xi32, #tpu.memory_space<vmem>> -> memref<128xi32, #tpu.memory_space<vmem>>
    %dma_start3A_50 = arith.constant 0 : i32
    %dma_start3A_51 = arith.constant 0 : i32
    %dma_start3A_52 = tpu.memref_slice %arg5[%dma_start3A_50, %dma_start3A_51] : memref<100000x128xf32, #tpu.memory_space<hbm>> -> memref<100000x128xf32, #tpu.memory_space<hbm>>
    tpu.enqueue_indirect_dma source(%dma_start3A_52 : memref<100000x128xf32, #tpu.memory_space<hbm>>) target(%dma_start3A_47 : memref<128x128xf32, #tpu.memory_space<vmem>>) offsets(%dma_start3A_49 : memref<128xi32, #tpu.memory_space<vmem>>) semaphore(%arg18 : memref<!tpu.dma_semaphore, #tpu.memory_space<semaphore_mem>>)
    %dma_start3A_53 = arith.constant 1 : i32
    %dma_start3A_54 = arith.constant 0 : i32
    %dma_start3A_55 = arith.constant 0 : i32
    %dma_start3A_56 = tpu.memref_slice %arg13[%dma_start3A_53, %dma_start3A_54, %dma_start3A_55] : memref<2x128x128xf32, #tpu.memory_space<vmem>> -> memref<1x128x128xf32, #tpu.memory_space<vmem>>
    %dma_start3A_57 = tpu.memref_squeeze %dma_start3A_56 : memref<1x128x128xf32, #tpu.memory_space<vmem>> -> memref<128x128xf32, #tpu.memory_space<vmem>>
    %dma_start3A_58 = arith.constant 128 : i32
    %dma_start3A_59 = tpu.memref_slice %arg10[%dma_start3A_58] : memref<512xi32, #tpu.memory_space<vmem>> -> memref<128xi32, #tpu.memory_space<vmem>>
    %dma_start3A_60 = arith.constant 0 : i32
    %dma_start3A_61 = arith.constant 0 : i32
    %dma_start3A_62 = tpu.memref_slice %arg6[%dma_start3A_60, %dma_start3A_61] : memref<100000x128xf32, #tpu.memory_space<hbm>> -> memref<100000x128xf32, #tpu.memory_space<hbm>>
    tpu.enqueue_indirect_dma source(%dma_start3A_62 : memref<100000x128xf32, #tpu.memory_space<hbm>>) target(%dma_start3A_57 : memref<128x128xf32, #tpu.memory_space<vmem>>) offsets(%dma_start3A_59 : memref<128xi32, #tpu.memory_space<vmem>>) semaphore(%arg18 : memref<!tpu.dma_semaphore, #tpu.memory_space<semaphore_mem>>)
    %dma_start3A_63 = arith.constant 1 : i32
    %dma_start3A_64 = arith.constant 0 : i32
    %dma_start3A_65 = arith.constant 0 : i32
    %dma_start3A_66 = tpu.memref_slice %arg14[%dma_start3A_63, %dma_start3A_64, %dma_start3A_65] : memref<2x128x128xf32, #tpu.memory_space<vmem>> -> memref<1x128x128xf32, #tpu.memory_space<vmem>>
    %dma_start3A_67 = tpu.memref_squeeze %dma_start3A_66 : memref<1x128x128xf32, #tpu.memory_space<vmem>> -> memref<128x128xf32, #tpu.memory_space<vmem>>
    %dma_start3A_68 = arith.constant 128 : i32
    %dma_start3A_69 = tpu.memref_slice %arg11[%dma_start3A_68] : memref<512xi32, #tpu.memory_space<vmem>> -> memref<128xi32, #tpu.memory_space<vmem>>
    %dma_start3A_70 = arith.constant 0 : i32
    %dma_start3A_71 = arith.constant 0 : i32
    %dma_start3A_72 = tpu.memref_slice %arg6[%dma_start3A_70, %dma_start3A_71] : memref<100000x128xf32, #tpu.memory_space<hbm>> -> memref<100000x128xf32, #tpu.memory_space<hbm>>
    tpu.enqueue_indirect_dma source(%dma_start3A_72 : memref<100000x128xf32, #tpu.memory_space<hbm>>) target(%dma_start3A_67 : memref<128x128xf32, #tpu.memory_space<vmem>>) offsets(%dma_start3A_69 : memref<128xi32, #tpu.memory_space<vmem>>) semaphore(%arg18 : memref<!tpu.dma_semaphore, #tpu.memory_space<semaphore_mem>>)
    %dma_wait3A_73 = arith.constant 0 : i32
    %dma_wait3A_74 = arith.constant 0 : i32
    %dma_wait3A_75 = arith.constant 0 : i32
    %dma_wait3A_76 = tpu.memref_slice %arg12[%dma_wait3A_73, %dma_wait3A_74, %dma_wait3A_75] : memref<2x128x128xf32, #tpu.memory_space<vmem>> -> memref<1x128x128xf32, #tpu.memory_space<vmem>>
    %dma_wait3A_77 = tpu.memref_squeeze %dma_wait3A_76 : memref<1x128x128xf32, #tpu.memory_space<vmem>> -> memref<128x128xf32, #tpu.memory_space<vmem>>
    %dma_wait3A_78 = arith.constant 0 : i32
    %dma_wait3A_79 = tpu.memref_slice %arg9[%dma_wait3A_78] : memref<512xi32, #tpu.memory_space<vmem>> -> memref<128xi32, #tpu.memory_space<vmem>>
    %dma_wait3A_80 = arith.constant 0 : i32
    %dma_wait3A_81 = arith.constant 0 : i32
    %dma_wait3A_82 = tpu.memref_slice %arg5[%dma_wait3A_80, %dma_wait3A_81] : memref<100000x128xf32, #tpu.memory_space<hbm>> -> memref<100000x128xf32, #tpu.memory_space<hbm>>
    tpu.wait_indirect_dma semaphore(%arg17 : memref<!tpu.dma_semaphore, #tpu.memory_space<semaphore_mem>>) src(%dma_wait3A_82 : memref<100000x128xf32, #tpu.memory_space<hbm>>) dst(%dma_wait3A_77 : memref<128x128xf32, #tpu.memory_space<vmem>>)
    %dma_wait3A_83 = arith.constant 0 : i32
    %dma_wait3A_84 = arith.constant 0 : i32
    %dma_wait3A_85 = arith.constant 0 : i32
    %dma_wait3A_86 = tpu.memref_slice %arg13[%dma_wait3A_83, %dma_wait3A_84, %dma_wait3A_85] : memref<2x128x128xf32, #tpu.memory_space<vmem>> -> memref<1x128x128xf32, #tpu.memory_space<vmem>>
    %dma_wait3A_87 = tpu.memref_squeeze %dma_wait3A_86 : memref<1x128x128xf32, #tpu.memory_space<vmem>> -> memref<128x128xf32, #tpu.memory_space<vmem>>
    %dma_wait3A_88 = arith.constant 0 : i32
    %dma_wait3A_89 = tpu.memref_slice %arg10[%dma_wait3A_88] : memref<512xi32, #tpu.memory_space<vmem>> -> memref<128xi32, #tpu.memory_space<vmem>>
    %dma_wait3A_90 = arith.constant 0 : i32
    %dma_wait3A_91 = arith.constant 0 : i32
    %dma_wait3A_92 = tpu.memref_slice %arg6[%dma_wait3A_90, %dma_wait3A_91] : memref<100000x128xf32, #tpu.memory_space<hbm>> -> memref<100000x128xf32, #tpu.memory_space<hbm>>
    tpu.wait_indirect_dma semaphore(%arg17 : memref<!tpu.dma_semaphore, #tpu.memory_space<semaphore_mem>>) src(%dma_wait3A_92 : memref<100000x128xf32, #tpu.memory_space<hbm>>) dst(%dma_wait3A_87 : memref<128x128xf32, #tpu.memory_space<vmem>>)
    %dma_wait3A_93 = arith.constant 0 : i32
    %dma_wait3A_94 = arith.constant 0 : i32
    %dma_wait3A_95 = arith.constant 0 : i32
    %dma_wait3A_96 = tpu.memref_slice %arg14[%dma_wait3A_93, %dma_wait3A_94, %dma_wait3A_95] : memref<2x128x128xf32, #tpu.memory_space<vmem>> -> memref<1x128x128xf32, #tpu.memory_space<vmem>>
    %dma_wait3A_97 = tpu.memref_squeeze %dma_wait3A_96 : memref<1x128x128xf32, #tpu.memory_space<vmem>> -> memref<128x128xf32, #tpu.memory_space<vmem>>
    %dma_wait3A_98 = arith.constant 0 : i32
    %dma_wait3A_99 = tpu.memref_slice %arg11[%dma_wait3A_98] : memref<512xi32, #tpu.memory_space<vmem>> -> memref<128xi32, #tpu.memory_space<vmem>>
    %dma_wait3A_100 = arith.constant 0 : i32
    %dma_wait3A_101 = arith.constant 0 : i32
    %dma_wait3A_102 = tpu.memref_slice %arg6[%dma_wait3A_100, %dma_wait3A_101] : memref<100000x128xf32, #tpu.memory_space<hbm>> -> memref<100000x128xf32, #tpu.memory_space<hbm>>
    tpu.wait_indirect_dma semaphore(%arg17 : memref<!tpu.dma_semaphore, #tpu.memory_space<semaphore_mem>>) src(%dma_wait3A_102 : memref<100000x128xf32, #tpu.memory_space<hbm>>) dst(%dma_wait3A_97 : memref<128x128xf32, #tpu.memory_space<vmem>>)
    %parallel_loop3A = arith.constant 0 : i32
    %parallel_loop3A_103 = arith.constant 8 : i32
    %parallel_loop3A_104 = arith.constant 1 : i32
    scf.for %parallel_loop3A_368 = %parallel_loop3A to %parallel_loop3A_103 step %parallel_loop3A_104  : i32 {
      %parallel_loop3A_369 = arith.constant 0.000000e+00 : f32
      %parallel_loop3A_370 = vector.broadcast %parallel_loop3A_369 : f32 to vector<16xf32>
      %parallel_loop3A_371 = arith.constant 0 : i32
      %parallel_loop3A_372 = arith.constant 16 : i32
      %parallel_loop3A_373 = arith.addi %parallel_loop3A_371, %parallel_loop3A_372 : i32
      %parallel_loop3A_374 = arith.constant 1 : i32
      %parallel_loop3A_375:2 = scf.for %scan3A = %parallel_loop3A_371 to %parallel_loop3A_373 step %parallel_loop3A_374 iter_args(%scan3A_389 = %parallel_loop3A_370, %scan3A_390 = %parallel_loop3A_370) -> (vector<16xf32>, vector<16xf32>)  : i32 {
        %parallel_loop3A_391 = arith.constant 16 : i32
        %parallel_loop3A_392 = arith.muli %parallel_loop3A_368, %parallel_loop3A_391 : i32
        %parallel_loop3A_393 = arith.addi %parallel_loop3A_392, %scan3A : i32
        %parallel_loop3A_394 = arith.constant 0 : i32
        %parallel_loop3A_395 = arith.index_cast %parallel_loop3A_394 : i32 to index
        %parallel_loop3A_396 = arith.index_cast %parallel_loop3A_393 : i32 to index
        %parallel_loop3A_397 = arith.constant 0 : index
        %parallel_loop3A_398 = tpu.vector_load %arg12[%parallel_loop3A_395, %parallel_loop3A_396, %parallel_loop3A_397] {strides = array<i32>} : memref<2x128x128xf32, #tpu.memory_space<vmem>>, vector<16xf32>,
        %parallel_loop3A_399 = arith.constant 0 : i32
        %parallel_loop3A_400 = arith.index_cast %parallel_loop3A_399 : i32 to index
        %parallel_loop3A_401 = arith.index_cast %parallel_loop3A_393 : i32 to index
        %parallel_loop3A_402 = arith.constant 0 : index
        %parallel_loop3A_403 = tpu.vector_load %arg13[%parallel_loop3A_400, %parallel_loop3A_401, %parallel_loop3A_402] {strides = array<i32>} : memref<2x128x128xf32, #tpu.memory_space<vmem>>, vector<16xf32>,
        %parallel_loop3A_404 = arith.mulf %parallel_loop3A_398, %parallel_loop3A_403 : vector<16xf32>
        %parallel_loop3A_405 = arith.constant 0 : i32
        %parallel_loop3A_406 = arith.index_cast %parallel_loop3A_405 : i32 to index
        %parallel_loop3A_407 = arith.index_cast %parallel_loop3A_393 : i32 to index
        %parallel_loop3A_408 = arith.constant 0 : index
        %parallel_loop3A_409 = tpu.vector_load %arg14[%parallel_loop3A_406, %parallel_loop3A_407, %parallel_loop3A_408] {strides = array<i32>} : memref<2x128x128xf32, #tpu.memory_space<vmem>>, vector<16xf32>,
        %parallel_loop3A_410 = arith.mulf %parallel_loop3A_398, %parallel_loop3A_409 : vector<16xf32>
        %parallel_loop3A_411 = arith.constant 0 : i32
        %parallel_loop3A_412 = arith.index_cast %parallel_loop3A_411 : i32 to index
        %parallel_loop3A_413 = arith.index_cast %parallel_loop3A_393 : i32 to index
        %parallel_loop3A_414 = arith.constant 16 : index
        %parallel_loop3A_415 = tpu.vector_load %arg12[%parallel_loop3A_412, %parallel_loop3A_413, %parallel_loop3A_414] {strides = array<i32>} : memref<2x128x128xf32, #tpu.memory_space<vmem>>, vector<16xf32>,
        %parallel_loop3A_416 = arith.constant 0 : i32
        %parallel_loop3A_417 = arith.index_cast %parallel_loop3A_416 : i32 to index
        %parallel_loop3A_418 = arith.index_cast %parallel_loop3A_393 : i32 to index
        %parallel_loop3A_419 = arith.constant 16 : index
        %parallel_loop3A_420 = tpu.vector_load %arg13[%parallel_loop3A_417, %parallel_loop3A_418, %parallel_loop3A_419] {strides = array<i32>} : memref<2x128x128xf32, #tpu.memory_space<vmem>>, vector<16xf32>,
        %parallel_loop3A_421 = arith.mulf %parallel_loop3A_415, %parallel_loop3A_420 : vector<16xf32>
        %parallel_loop3A_422 = arith.addf %parallel_loop3A_404, %parallel_loop3A_421 : vector<16xf32>
        %parallel_loop3A_423 = arith.constant 0 : i32
        %parallel_loop3A_424 = arith.index_cast %parallel_loop3A_423 : i32 to index
        %parallel_loop3A_425 = arith.index_cast %parallel_loop3A_393 : i32 to index
        %parallel_loop3A_426 = arith.constant 16 : index
        %parallel_loop3A_427 = tpu.vector_load %arg14[%parallel_loop3A_424, %parallel_loop3A_425, %parallel_loop3A_426] {strides = array<i32>} : memref<2x128x128xf32, #tpu.memory_space<vmem>>, vector<16xf32>,
        %parallel_loop3A_428 = arith.mulf %parallel_loop3A_415, %parallel_loop3A_427 : vector<16xf32>
        %parallel_loop3A_429 = arith.addf %parallel_loop3A_410, %parallel_loop3A_428 : vector<16xf32>
        %parallel_loop3A_430 = arith.constant 0 : i32
        %parallel_loop3A_431 = arith.index_cast %parallel_loop3A_430 : i32 to index
        %parallel_loop3A_432 = arith.index_cast %parallel_loop3A_393 : i32 to index
        %parallel_loop3A_433 = arith.constant 32 : index
        %parallel_loop3A_434 = tpu.vector_load %arg12[%parallel_loop3A_431, %parallel_loop3A_432, %parallel_loop3A_433] {strides = array<i32>} : memref<2x128x128xf32, #tpu.memory_space<vmem>>, vector<16xf32>,
        %parallel_loop3A_435 = arith.constant 0 : i32
        %parallel_loop3A_436 = arith.index_cast %parallel_loop3A_435 : i32 to index
        %parallel_loop3A_437 = arith.index_cast %parallel_loop3A_393 : i32 to index
        %parallel_loop3A_438 = arith.constant 32 : index
        %parallel_loop3A_439 = tpu.vector_load %arg13[%parallel_loop3A_436, %parallel_loop3A_437, %parallel_loop3A_438] {strides = array<i32>} : memref<2x128x128xf32, #tpu.memory_space<vmem>>, vector<16xf32>,
        %parallel_loop3A_440 = arith.mulf %parallel_loop3A_434, %parallel_loop3A_439 : vector<16xf32>
        %parallel_loop3A_441 = arith.addf %parallel_loop3A_422, %parallel_loop3A_440 : vector<16xf32>
        %parallel_loop3A_442 = arith.constant 0 : i32
        %parallel_loop3A_443 = arith.index_cast %parallel_loop3A_442 : i32 to index
        %parallel_loop3A_444 = arith.index_cast %parallel_loop3A_393 : i32 to index
        %parallel_loop3A_445 = arith.constant 32 : index
        %parallel_loop3A_446 = tpu.vector_load %arg14[%parallel_loop3A_443, %parallel_loop3A_444, %parallel_loop3A_445] {strides = array<i32>} : memref<2x128x128xf32, #tpu.memory_space<vmem>>, vector<16xf32>,
        %parallel_loop3A_447 = arith.mulf %parallel_loop3A_434, %parallel_loop3A_446 : vector<16xf32>
        %parallel_loop3A_448 = arith.addf %parallel_loop3A_429, %parallel_loop3A_447 : vector<16xf32>
        %parallel_loop3A_449 = arith.constant 0 : i32
        %parallel_loop3A_450 = arith.index_cast %parallel_loop3A_449 : i32 to index
        %parallel_loop3A_451 = arith.index_cast %parallel_loop3A_393 : i32 to index
        %parallel_loop3A_452 = arith.constant 48 : index
        %parallel_loop3A_453 = tpu.vector_load %arg12[%parallel_loop3A_450, %parallel_loop3A_451, %parallel_loop3A_452] {strides = array<i32>} : memref<2x128x128xf32, #tpu.memory_space<vmem>>, vector<16xf32>,
        %parallel_loop3A_454 = arith.constant 0 : i32
        %parallel_loop3A_455 = arith.index_cast %parallel_loop3A_454 : i32 to index
        %parallel_loop3A_456 = arith.index_cast %parallel_loop3A_393 : i32 to index
        %parallel_loop3A_457 = arith.constant 48 : index
        %parallel_loop3A_458 = tpu.vector_load %arg13[%parallel_loop3A_455, %parallel_loop3A_456, %parallel_loop3A_457] {strides = array<i32>} : memref<2x128x128xf32, #tpu.memory_space<vmem>>, vector<16xf32>,
        %parallel_loop3A_459 = arith.mulf %parallel_loop3A_453, %parallel_loop3A_458 : vector<16xf32>
        %parallel_loop3A_460 = arith.addf %parallel_loop3A_441, %parallel_loop3A_459 : vector<16xf32>
        %parallel_loop3A_461 = arith.constant 0 : i32
        %parallel_loop3A_462 = arith.index_cast %parallel_loop3A_461 : i32 to index
        %parallel_loop3A_463 = arith.index_cast %parallel_loop3A_393 : i32 to index
        %parallel_loop3A_464 = arith.constant 48 : index
        %parallel_loop3A_465 = tpu.vector_load %arg14[%parallel_loop3A_462, %parallel_loop3A_463, %parallel_loop3A_464] {strides = array<i32>} : memref<2x128x128xf32, #tpu.memory_space<vmem>>, vector<16xf32>,
        %parallel_loop3A_466 = arith.mulf %parallel_loop3A_453, %parallel_loop3A_465 : vector<16xf32>
        %parallel_loop3A_467 = arith.addf %parallel_loop3A_448, %parallel_loop3A_466 : vector<16xf32>
        %parallel_loop3A_468 = arith.constant 0 : i32
        %parallel_loop3A_469 = arith.index_cast %parallel_loop3A_468 : i32 to index
        %parallel_loop3A_470 = arith.index_cast %parallel_loop3A_393 : i32 to index
        %parallel_loop3A_471 = arith.constant 64 : index
        %parallel_loop3A_472 = tpu.vector_load %arg12[%parallel_loop3A_469, %parallel_loop3A_470, %parallel_loop3A_471] {strides = array<i32>} : memref<2x128x128xf32, #tpu.memory_space<vmem>>, vector<16xf32>,
        %parallel_loop3A_473 = arith.constant 0 : i32
        %parallel_loop3A_474 = arith.index_cast %parallel_loop3A_473 : i32 to index
        %parallel_loop3A_475 = arith.index_cast %parallel_loop3A_393 : i32 to index
        %parallel_loop3A_476 = arith.constant 64 : index
        %parallel_loop3A_477 = tpu.vector_load %arg13[%parallel_loop3A_474, %parallel_loop3A_475, %parallel_loop3A_476] {strides = array<i32>} : memref<2x128x128xf32, #tpu.memory_space<vmem>>, vector<16xf32>,
        %parallel_loop3A_478 = arith.mulf %parallel_loop3A_472, %parallel_loop3A_477 : vector<16xf32>
        %parallel_loop3A_479 = arith.addf %parallel_loop3A_460, %parallel_loop3A_478 : vector<16xf32>
        %parallel_loop3A_480 = arith.constant 0 : i32
        %parallel_loop3A_481 = arith.index_cast %parallel_loop3A_480 : i32 to index
        %parallel_loop3A_482 = arith.index_cast %parallel_loop3A_393 : i32 to index
        %parallel_loop3A_483 = arith.constant 64 : index
        %parallel_loop3A_484 = tpu.vector_load %arg14[%parallel_loop3A_481, %parallel_loop3A_482, %parallel_loop3A_483] {strides = array<i32>} : memref<2x128x128xf32, #tpu.memory_space<vmem>>, vector<16xf32>,
        %parallel_loop3A_485 = arith.mulf %parallel_loop3A_472, %parallel_loop3A_484 : vector<16xf32>
        %parallel_loop3A_486 = arith.addf %parallel_loop3A_467, %parallel_loop3A_485 : vector<16xf32>
        %parallel_loop3A_487 = arith.constant 0 : i32
        %parallel_loop3A_488 = arith.index_cast %parallel_loop3A_487 : i32 to index
        %parallel_loop3A_489 = arith.index_cast %parallel_loop3A_393 : i32 to index
        %parallel_loop3A_490 = arith.constant 80 : index
        %parallel_loop3A_491 = tpu.vector_load %arg12[%parallel_loop3A_488, %parallel_loop3A_489, %parallel_loop3A_490] {strides = array<i32>} : memref<2x128x128xf32, #tpu.memory_space<vmem>>, vector<16xf32>,
        %parallel_loop3A_492 = arith.constant 0 : i32
        %parallel_loop3A_493 = arith.index_cast %parallel_loop3A_492 : i32 to index
        %parallel_loop3A_494 = arith.index_cast %parallel_loop3A_393 : i32 to index
        %parallel_loop3A_495 = arith.constant 80 : index
        %parallel_loop3A_496 = tpu.vector_load %arg13[%parallel_loop3A_493, %parallel_loop3A_494, %parallel_loop3A_495] {strides = array<i32>} : memref<2x128x128xf32, #tpu.memory_space<vmem>>, vector<16xf32>,
        %parallel_loop3A_497 = arith.mulf %parallel_loop3A_491, %parallel_loop3A_496 : vector<16xf32>
        %parallel_loop3A_498 = arith.addf %parallel_loop3A_479, %parallel_loop3A_497 : vector<16xf32>
        %parallel_loop3A_499 = arith.constant 0 : i32
        %parallel_loop3A_500 = arith.index_cast %parallel_loop3A_499 : i32 to index
        %parallel_loop3A_501 = arith.index_cast %parallel_loop3A_393 : i32 to index
        %parallel_loop3A_502 = arith.constant 80 : index
        %parallel_loop3A_503 = tpu.vector_load %arg14[%parallel_loop3A_500, %parallel_loop3A_501, %parallel_loop3A_502] {strides = array<i32>} : memref<2x128x128xf32, #tpu.memory_space<vmem>>, vector<16xf32>,
        %parallel_loop3A_504 = arith.mulf %parallel_loop3A_491, %parallel_loop3A_503 : vector<16xf32>
        %parallel_loop3A_505 = arith.addf %parallel_loop3A_486, %parallel_loop3A_504 : vector<16xf32>
        %parallel_loop3A_506 = arith.constant 0 : i32
        %parallel_loop3A_507 = arith.index_cast %parallel_loop3A_506 : i32 to index
        %parallel_loop3A_508 = arith.index_cast %parallel_loop3A_393 : i32 to index
        %parallel_loop3A_509 = arith.constant 96 : index
        %parallel_loop3A_510 = tpu.vector_load %arg12[%parallel_loop3A_507, %parallel_loop3A_508, %parallel_loop3A_509] {strides = array<i32>} : memref<2x128x128xf32, #tpu.memory_space<vmem>>, vector<16xf32>,
        %parallel_loop3A_511 = arith.constant 0 : i32
        %parallel_loop3A_512 = arith.index_cast %parallel_loop3A_511 : i32 to index
        %parallel_loop3A_513 = arith.index_cast %parallel_loop3A_393 : i32 to index
        %parallel_loop3A_514 = arith.constant 96 : index
        %parallel_loop3A_515 = tpu.vector_load %arg13[%parallel_loop3A_512, %parallel_loop3A_513, %parallel_loop3A_514] {strides = array<i32>} : memref<2x128x128xf32, #tpu.memory_space<vmem>>, vector<16xf32>,
        %parallel_loop3A_516 = arith.mulf %parallel_loop3A_510, %parallel_loop3A_515 : vector<16xf32>
        %parallel_loop3A_517 = arith.addf %parallel_loop3A_498, %parallel_loop3A_516 : vector<16xf32>
        %parallel_loop3A_518 = arith.constant 0 : i32
        %parallel_loop3A_519 = arith.index_cast %parallel_loop3A_518 : i32 to index
        %parallel_loop3A_520 = arith.index_cast %parallel_loop3A_393 : i32 to index
        %parallel_loop3A_521 = arith.constant 96 : index
        %parallel_loop3A_522 = tpu.vector_load %arg14[%parallel_loop3A_519, %parallel_loop3A_520, %parallel_loop3A_521] {strides = array<i32>} : memref<2x128x128xf32, #tpu.memory_space<vmem>>, vector<16xf32>,
        %parallel_loop3A_523 = arith.mulf %parallel_loop3A_510, %parallel_loop3A_522 : vector<16xf32>
        %parallel_loop3A_524 = arith.addf %parallel_loop3A_505, %parallel_loop3A_523 : vector<16xf32>
        %parallel_loop3A_525 = arith.constant 0 : i32
        %parallel_loop3A_526 = arith.index_cast %parallel_loop3A_525 : i32 to index
        %parallel_loop3A_527 = arith.index_cast %parallel_loop3A_393 : i32 to index
        %parallel_loop3A_528 = arith.constant 112 : index
        %parallel_loop3A_529 = tpu.vector_load %arg12[%parallel_loop3A_526, %parallel_loop3A_527, %parallel_loop3A_528] {strides = array<i32>} : memref<2x128x128xf32, #tpu.memory_space<vmem>>, vector<16xf32>,
        %parallel_loop3A_530 = arith.constant 0 : i32
        %parallel_loop3A_531 = arith.index_cast %parallel_loop3A_530 : i32 to index
        %parallel_loop3A_532 = arith.index_cast %parallel_loop3A_393 : i32 to index
        %parallel_loop3A_533 = arith.constant 112 : index
        %parallel_loop3A_534 = tpu.vector_load %arg13[%parallel_loop3A_531, %parallel_loop3A_532, %parallel_loop3A_533] {strides = array<i32>} : memref<2x128x128xf32, #tpu.memory_space<vmem>>, vector<16xf32>,
        %parallel_loop3A_535 = arith.mulf %parallel_loop3A_529, %parallel_loop3A_534 : vector<16xf32>
        %parallel_loop3A_536 = arith.addf %parallel_loop3A_517, %parallel_loop3A_535 : vector<16xf32>
        %parallel_loop3A_537 = arith.constant 0 : i32
        %parallel_loop3A_538 = arith.index_cast %parallel_loop3A_537 : i32 to index
        %parallel_loop3A_539 = arith.index_cast %parallel_loop3A_393 : i32 to index
        %parallel_loop3A_540 = arith.constant 112 : index
        %parallel_loop3A_541 = tpu.vector_load %arg14[%parallel_loop3A_538, %parallel_loop3A_539, %parallel_loop3A_540] {strides = array<i32>} : memref<2x128x128xf32, #tpu.memory_space<vmem>>, vector<16xf32>,
        %parallel_loop3A_542 = arith.mulf %parallel_loop3A_529, %parallel_loop3A_541 : vector<16xf32>
        %parallel_loop3A_543 = arith.addf %parallel_loop3A_524, %parallel_loop3A_542 : vector<16xf32>
        %parallel_loop3A_544 = vector.broadcast %scan3A : i32 to vector<16xi32>
        %parallel_loop3A_545 = arith.cmpi eq, %iota3A, %parallel_loop3A_544 : vector<16xi32>
        %parallel_loop3A_546 = arith.constant true
        %parallel_loop3A_547 = vector.broadcast %parallel_loop3A_546 : i1 to vector<16xi1>
        %parallel_loop3A_548 = tpu.scan <sum>, %parallel_loop3A_536 masked %parallel_loop3A_547 : vector<16xf32>, vector<16xi1> -> vector<16xf32>
        %parallel_loop3A_549 = vector.extract %parallel_loop3A_548[15] : f32 from vector<16xf32>
        %parallel_loop3A_550 = vector.broadcast %parallel_loop3A_549 : f32 to vector<16xf32>
        %parallel_loop3A_551 = arith.select %parallel_loop3A_545, %parallel_loop3A_550, %scan3A_389 : vector<16xi1>, vector<16xf32>
        %parallel_loop3A_552 = vector.broadcast %scan3A : i32 to vector<16xi32>
        %parallel_loop3A_553 = arith.cmpi eq, %iota3A, %parallel_loop3A_552 : vector<16xi32>
        %parallel_loop3A_554 = arith.constant true
        %parallel_loop3A_555 = vector.broadcast %parallel_loop3A_554 : i1 to vector<16xi1>
        %parallel_loop3A_556 = tpu.scan <sum>, %parallel_loop3A_543 masked %parallel_loop3A_555 : vector<16xf32>, vector<16xi1> -> vector<16xf32>
        %parallel_loop3A_557 = vector.extract %parallel_loop3A_556[15] : f32 from vector<16xf32>
        %parallel_loop3A_558 = vector.broadcast %parallel_loop3A_557 : f32 to vector<16xf32>
        %parallel_loop3A_559 = arith.select %parallel_loop3A_553, %parallel_loop3A_558, %scan3A_390 : vector<16xi1>, vector<16xf32>
        scf.yield %parallel_loop3A_551, %parallel_loop3A_559 : vector<16xf32>, vector<16xf32>
      }
      %parallel_loop3A_376 = arith.constant 16 : i32
      %parallel_loop3A_377 = arith.constant 16 : i32
      %parallel_loop3A_378 = arith.muli %parallel_loop3A_368, %parallel_loop3A_377 : i32
      %parallel_loop3A_379 = arith.constant 0 : i32
      %parallel_loop3A_380 = arith.addi %parallel_loop3A_379, %parallel_loop3A_378 : i32
      %parallel_loop3A_381 = arith.index_cast %parallel_loop3A_380 : i32 to index
      %parallel_loop3A_382 = tpu.vector_load %arg15[%parallel_loop3A_381] {strides = array<i32>} : memref<512xf32, #tpu.memory_space<vmem>>, vector<16xf32>,
      tpu.vector_store %arg15[%parallel_loop3A_381], %parallel_loop3A_375#0 {strides = array<i32>} : memref<512xf32, #tpu.memory_space<vmem>>, vector<16xf32>,
      %parallel_loop3A_383 = arith.constant 16 : i32
      %parallel_loop3A_384 = arith.muli %parallel_loop3A_368, %parallel_loop3A_383 : i32
      %parallel_loop3A_385 = arith.constant 0 : i32
      %parallel_loop3A_386 = arith.addi %parallel_loop3A_385, %parallel_loop3A_384 : i32
      %parallel_loop3A_387 = arith.index_cast %parallel_loop3A_386 : i32 to index
      %parallel_loop3A_388 = tpu.vector_load %arg16[%parallel_loop3A_387] {strides = array<i32>} : memref<512xf32, #tpu.memory_space<vmem>>, vector<16xf32>,
      tpu.vector_store %arg16[%parallel_loop3A_387], %parallel_loop3A_375#1 {strides = array<i32>} : memref<512xf32, #tpu.memory_space<vmem>>, vector<16xf32>,
    } {sc.loop_unroll_factor = 1 : i64, sc.parallel_access}
    %add3A_105 = arith.constant 0 : i32
    %add3A_106 = arith.addi %mul3A_2, %add3A_105 : i32
    %dma_start3A_107 = arith.constant 0 : i32
    %dma_start3A_108 = tpu.memref_slice %arg15[%dma_start3A_107] : memref<512xf32, #tpu.memory_space<vmem>> -> memref<128xf32, #tpu.memory_space<vmem>>
    %dma_start3A_109 = tpu.memref_slice %arg7[%add3A_106] : memref<16384xf32, #tpu.memory_space<hbm>> -> memref<128xf32, #tpu.memory_space<hbm>>
    %dma_start3A_110 = tpu.memref_slice %arg7[%add3A_106] : memref<16384xf32, #tpu.memory_space<hbm>> -> memref<128xf32, #tpu.memory_space<hbm>>
    %dma_start3A_111 = arith.constant 0 : i32
    %dma_start3A_112 = tpu.memref_slice %arg15[%dma_start3A_111] : memref<512xf32, #tpu.memory_space<vmem>> -> memref<128xf32, #tpu.memory_space<vmem>>
    tpu.enqueue_dma source(%dma_start3A_112 : memref<128xf32, #tpu.memory_space<vmem>>) target(%dma_start3A_110 : memref<128xf32, #tpu.memory_space<hbm>>) target_semaphore(%arg19 : memref<!tpu.dma_semaphore, #tpu.memory_space<semaphore_mem>>)
    %dma_start3A_113 = arith.constant 0 : i32
    %dma_start3A_114 = tpu.memref_slice %arg16[%dma_start3A_113] : memref<512xf32, #tpu.memory_space<vmem>> -> memref<128xf32, #tpu.memory_space<vmem>>
    %dma_start3A_115 = tpu.memref_slice %arg8[%add3A_106] : memref<16384xf32, #tpu.memory_space<hbm>> -> memref<128xf32, #tpu.memory_space<hbm>>
    %dma_start3A_116 = tpu.memref_slice %arg8[%add3A_106] : memref<16384xf32, #tpu.memory_space<hbm>> -> memref<128xf32, #tpu.memory_space<hbm>>
    %dma_start3A_117 = arith.constant 0 : i32
    %dma_start3A_118 = tpu.memref_slice %arg16[%dma_start3A_117] : memref<512xf32, #tpu.memory_space<vmem>> -> memref<128xf32, #tpu.memory_space<vmem>>
    tpu.enqueue_dma source(%dma_start3A_118 : memref<128xf32, #tpu.memory_space<vmem>>) target(%dma_start3A_116 : memref<128xf32, #tpu.memory_space<hbm>>) target_semaphore(%arg19 : memref<!tpu.dma_semaphore, #tpu.memory_space<semaphore_mem>>)
    %dma_start3A_119 = arith.constant 0 : i32
    %dma_start3A_120 = arith.constant 0 : i32
    %dma_start3A_121 = arith.constant 0 : i32
    %dma_start3A_122 = tpu.memref_slice %arg12[%dma_start3A_119, %dma_start3A_120, %dma_start3A_121] : memref<2x128x128xf32, #tpu.memory_space<vmem>> -> memref<1x128x128xf32, #tpu.memory_space<vmem>>
    %dma_start3A_123 = tpu.memref_squeeze %dma_start3A_122 : memref<1x128x128xf32, #tpu.memory_space<vmem>> -> memref<128x128xf32, #tpu.memory_space<vmem>>
    %dma_start3A_124 = arith.constant 256 : i32
    %dma_start3A_125 = tpu.memref_slice %arg9[%dma_start3A_124] : memref<512xi32, #tpu.memory_space<vmem>> -> memref<128xi32, #tpu.memory_space<vmem>>
    %dma_start3A_126 = arith.constant 0 : i32
    %dma_start3A_127 = arith.constant 0 : i32
    %dma_start3A_128 = tpu.memref_slice %arg5[%dma_start3A_126, %dma_start3A_127] : memref<100000x128xf32, #tpu.memory_space<hbm>> -> memref<100000x128xf32, #tpu.memory_space<hbm>>
    tpu.enqueue_indirect_dma source(%dma_start3A_128 : memref<100000x128xf32, #tpu.memory_space<hbm>>) target(%dma_start3A_123 : memref<128x128xf32, #tpu.memory_space<vmem>>) offsets(%dma_start3A_125 : memref<128xi32, #tpu.memory_space<vmem>>) semaphore(%arg17 : memref<!tpu.dma_semaphore, #tpu.memory_space<semaphore_mem>>)
    %dma_start3A_129 = arith.constant 0 : i32
    %dma_start3A_130 = arith.constant 0 : i32
    %dma_start3A_131 = arith.constant 0 : i32
    %dma_start3A_132 = tpu.memref_slice %arg13[%dma_start3A_129, %dma_start3A_130, %dma_start3A_131] : memref<2x128x128xf32, #tpu.memory_space<vmem>> -> memref<1x128x128xf32, #tpu.memory_space<vmem>>
    %dma_start3A_133 = tpu.memref_squeeze %dma_start3A_132 : memref<1x128x128xf32, #tpu.memory_space<vmem>> -> memref<128x128xf32, #tpu.memory_space<vmem>>
    %dma_start3A_134 = arith.constant 256 : i32
    %dma_start3A_135 = tpu.memref_slice %arg10[%dma_start3A_134] : memref<512xi32, #tpu.memory_space<vmem>> -> memref<128xi32, #tpu.memory_space<vmem>>
    %dma_start3A_136 = arith.constant 0 : i32
    %dma_start3A_137 = arith.constant 0 : i32
    %dma_start3A_138 = tpu.memref_slice %arg6[%dma_start3A_136, %dma_start3A_137] : memref<100000x128xf32, #tpu.memory_space<hbm>> -> memref<100000x128xf32, #tpu.memory_space<hbm>>
    tpu.enqueue_indirect_dma source(%dma_start3A_138 : memref<100000x128xf32, #tpu.memory_space<hbm>>) target(%dma_start3A_133 : memref<128x128xf32, #tpu.memory_space<vmem>>) offsets(%dma_start3A_135 : memref<128xi32, #tpu.memory_space<vmem>>) semaphore(%arg17 : memref<!tpu.dma_semaphore, #tpu.memory_space<semaphore_mem>>)
    %dma_start3A_139 = arith.constant 0 : i32
    %dma_start3A_140 = arith.constant 0 : i32
    %dma_start3A_141 = arith.constant 0 : i32
    %dma_start3A_142 = tpu.memref_slice %arg14[%dma_start3A_139, %dma_start3A_140, %dma_start3A_141] : memref<2x128x128xf32, #tpu.memory_space<vmem>> -> memref<1x128x128xf32, #tpu.memory_space<vmem>>
    %dma_start3A_143 = tpu.memref_squeeze %dma_start3A_142 : memref<1x128x128xf32, #tpu.memory_space<vmem>> -> memref<128x128xf32, #tpu.memory_space<vmem>>
    %dma_start3A_144 = arith.constant 256 : i32
    %dma_start3A_145 = tpu.memref_slice %arg11[%dma_start3A_144] : memref<512xi32, #tpu.memory_space<vmem>> -> memref<128xi32, #tpu.memory_space<vmem>>
    %dma_start3A_146 = arith.constant 0 : i32
    %dma_start3A_147 = arith.constant 0 : i32
    %dma_start3A_148 = tpu.memref_slice %arg6[%dma_start3A_146, %dma_start3A_147] : memref<100000x128xf32, #tpu.memory_space<hbm>> -> memref<100000x128xf32, #tpu.memory_space<hbm>>
    tpu.enqueue_indirect_dma source(%dma_start3A_148 : memref<100000x128xf32, #tpu.memory_space<hbm>>) target(%dma_start3A_143 : memref<128x128xf32, #tpu.memory_space<vmem>>) offsets(%dma_start3A_145 : memref<128xi32, #tpu.memory_space<vmem>>) semaphore(%arg17 : memref<!tpu.dma_semaphore, #tpu.memory_space<semaphore_mem>>)
    %dma_wait3A_149 = arith.constant 1 : i32
    %dma_wait3A_150 = arith.constant 0 : i32
    %dma_wait3A_151 = arith.constant 0 : i32
    %dma_wait3A_152 = tpu.memref_slice %arg12[%dma_wait3A_149, %dma_wait3A_150, %dma_wait3A_151] : memref<2x128x128xf32, #tpu.memory_space<vmem>> -> memref<1x128x128xf32, #tpu.memory_space<vmem>>
    %dma_wait3A_153 = tpu.memref_squeeze %dma_wait3A_152 : memref<1x128x128xf32, #tpu.memory_space<vmem>> -> memref<128x128xf32, #tpu.memory_space<vmem>>
    %dma_wait3A_154 = arith.constant 128 : i32
    %dma_wait3A_155 = tpu.memref_slice %arg9[%dma_wait3A_154] : memref<512xi32, #tpu.memory_space<vmem>> -> memref<128xi32, #tpu.memory_space<vmem>>
    %dma_wait3A_156 = arith.constant 0 : i32
    %dma_wait3A_157 = arith.constant 0 : i32
    %dma_wait3A_158 = tpu.memref_slice %arg5[%dma_wait3A_156, %dma_wait3A_157] : memref<100000x128xf32, #tpu.memory_space<hbm>> -> memref<100000x128xf32, #tpu.memory_space<hbm>>
    tpu.wait_indirect_dma semaphore(%arg18 : memref<!tpu.dma_semaphore, #tpu.memory_space<semaphore_mem>>) src(%dma_wait3A_158 : memref<100000x128xf32, #tpu.memory_space<hbm>>) dst(%dma_wait3A_153 : memref<128x128xf32, #tpu.memory_space<vmem>>)
    %dma_wait3A_159 = arith.constant 1 : i32
    %dma_wait3A_160 = arith.constant 0 : i32
    %dma_wait3A_161 = arith.constant 0 : i32
    %dma_wait3A_162 = tpu.memref_slice %arg13[%dma_wait3A_159, %dma_wait3A_160, %dma_wait3A_161] : memref<2x128x128xf32, #tpu.memory_space<vmem>> -> memref<1x128x128xf32, #tpu.memory_space<vmem>>
    %dma_wait3A_163 = tpu.memref_squeeze %dma_wait3A_162 : memref<1x128x128xf32, #tpu.memory_space<vmem>> -> memref<128x128xf32, #tpu.memory_space<vmem>>
    %dma_wait3A_164 = arith.constant 128 : i32
    %dma_wait3A_165 = tpu.memref_slice %arg10[%dma_wait3A_164] : memref<512xi32, #tpu.memory_space<vmem>> -> memref<128xi32, #tpu.memory_space<vmem>>
    %dma_wait3A_166 = arith.constant 0 : i32
    %dma_wait3A_167 = arith.constant 0 : i32
    %dma_wait3A_168 = tpu.memref_slice %arg6[%dma_wait3A_166, %dma_wait3A_167] : memref<100000x128xf32, #tpu.memory_space<hbm>> -> memref<100000x128xf32, #tpu.memory_space<hbm>>
    tpu.wait_indirect_dma semaphore(%arg18 : memref<!tpu.dma_semaphore, #tpu.memory_space<semaphore_mem>>) src(%dma_wait3A_168 : memref<100000x128xf32, #tpu.memory_space<hbm>>) dst(%dma_wait3A_163 : memref<128x128xf32, #tpu.memory_space<vmem>>)
    %dma_wait3A_169 = arith.constant 1 : i32
    %dma_wait3A_170 = arith.constant 0 : i32
    %dma_wait3A_171 = arith.constant 0 : i32
    %dma_wait3A_172 = tpu.memref_slice %arg14[%dma_wait3A_169, %dma_wait3A_170, %dma_wait3A_171] : memref<2x128x128xf32, #tpu.memory_space<vmem>> -> memref<1x128x128xf32, #tpu.memory_space<vmem>>
    %dma_wait3A_173 = tpu.memref_squeeze %dma_wait3A_172 : memref<1x128x128xf32, #tpu.memory_space<vmem>> -> memref<128x128xf32, #tpu.memory_space<vmem>>
    %dma_wait3A_174 = arith.constant 128 : i32
    %dma_wait3A_175 = tpu.memref_slice %arg11[%dma_wait3A_174] : memref<512xi32, #tpu.memory_space<vmem>> -> memref<128xi32, #tpu.memory_space<vmem>>
    %dma_wait3A_176 = arith.constant 0 : i32
    %dma_wait3A_177 = arith.constant 0 : i32
    %dma_wait3A_178 = tpu.memref_slice %arg6[%dma_wait3A_176, %dma_wait3A_177] : memref<100000x128xf32, #tpu.memory_space<hbm>> -> memref<100000x128xf32, #tpu.memory_space<hbm>>
    tpu.wait_indirect_dma semaphore(%arg18 : memref<!tpu.dma_semaphore, #tpu.memory_space<semaphore_mem>>) src(%dma_wait3A_178 : memref<100000x128xf32, #tpu.memory_space<hbm>>) dst(%dma_wait3A_173 : memref<128x128xf32, #tpu.memory_space<vmem>>)
    %parallel_loop3A_179 = arith.constant 0 : i32
    %parallel_loop3A_180 = arith.constant 8 : i32
    %parallel_loop3A_181 = arith.constant 1 : i32
    scf.for %parallel_loop3A_368 = %parallel_loop3A_179 to %parallel_loop3A_180 step %parallel_loop3A_181  : i32 {
      %parallel_loop3A_369 = arith.constant 0.000000e+00 : f32
      %parallel_loop3A_370 = vector.broadcast %parallel_loop3A_369 : f32 to vector<16xf32>
      %parallel_loop3A_371 = arith.constant 0 : i32
      %parallel_loop3A_372 = arith.constant 16 : i32
      %parallel_loop3A_373 = arith.addi %parallel_loop3A_371, %parallel_loop3A_372 : i32
      %parallel_loop3A_374 = arith.constant 1 : i32
      %parallel_loop3A_375:2 = scf.for %scan3A = %parallel_loop3A_371 to %parallel_loop3A_373 step %parallel_loop3A_374 iter_args(%scan3A_389 = %parallel_loop3A_370, %scan3A_390 = %parallel_loop3A_370) -> (vector<16xf32>, vector<16xf32>)  : i32 {
        %parallel_loop3A_391 = arith.constant 16 : i32
        %parallel_loop3A_392 = arith.muli %parallel_loop3A_368, %parallel_loop3A_391 : i32
        %parallel_loop3A_393 = arith.addi %parallel_loop3A_392, %scan3A : i32
        %parallel_loop3A_394 = arith.constant 1 : i32
        %parallel_loop3A_395 = arith.index_cast %parallel_loop3A_394 : i32 to index
        %parallel_loop3A_396 = arith.index_cast %parallel_loop3A_393 : i32 to index
        %parallel_loop3A_397 = arith.constant 0 : index
        %parallel_loop3A_398 = tpu.vector_load %arg12[%parallel_loop3A_395, %parallel_loop3A_396, %parallel_loop3A_397] {strides = array<i32>} : memref<2x128x128xf32, #tpu.memory_space<vmem>>, vector<16xf32>,
        %parallel_loop3A_399 = arith.constant 1 : i32
        %parallel_loop3A_400 = arith.index_cast %parallel_loop3A_399 : i32 to index
        %parallel_loop3A_401 = arith.index_cast %parallel_loop3A_393 : i32 to index
        %parallel_loop3A_402 = arith.constant 0 : index
        %parallel_loop3A_403 = tpu.vector_load %arg13[%parallel_loop3A_400, %parallel_loop3A_401, %parallel_loop3A_402] {strides = array<i32>} : memref<2x128x128xf32, #tpu.memory_space<vmem>>, vector<16xf32>,
        %parallel_loop3A_404 = arith.mulf %parallel_loop3A_398, %parallel_loop3A_403 : vector<16xf32>
        %parallel_loop3A_405 = arith.constant 1 : i32
        %parallel_loop3A_406 = arith.index_cast %parallel_loop3A_405 : i32 to index
        %parallel_loop3A_407 = arith.index_cast %parallel_loop3A_393 : i32 to index
        %parallel_loop3A_408 = arith.constant 0 : index
        %parallel_loop3A_409 = tpu.vector_load %arg14[%parallel_loop3A_406, %parallel_loop3A_407, %parallel_loop3A_408] {strides = array<i32>} : memref<2x128x128xf32, #tpu.memory_space<vmem>>, vector<16xf32>,
        %parallel_loop3A_410 = arith.mulf %parallel_loop3A_398, %parallel_loop3A_409 : vector<16xf32>
        %parallel_loop3A_411 = arith.constant 1 : i32
        %parallel_loop3A_412 = arith.index_cast %parallel_loop3A_411 : i32 to index
        %parallel_loop3A_413 = arith.index_cast %parallel_loop3A_393 : i32 to index
        %parallel_loop3A_414 = arith.constant 16 : index
        %parallel_loop3A_415 = tpu.vector_load %arg12[%parallel_loop3A_412, %parallel_loop3A_413, %parallel_loop3A_414] {strides = array<i32>} : memref<2x128x128xf32, #tpu.memory_space<vmem>>, vector<16xf32>,
        %parallel_loop3A_416 = arith.constant 1 : i32
        %parallel_loop3A_417 = arith.index_cast %parallel_loop3A_416 : i32 to index
        %parallel_loop3A_418 = arith.index_cast %parallel_loop3A_393 : i32 to index
        %parallel_loop3A_419 = arith.constant 16 : index
        %parallel_loop3A_420 = tpu.vector_load %arg13[%parallel_loop3A_417, %parallel_loop3A_418, %parallel_loop3A_419] {strides = array<i32>} : memref<2x128x128xf32, #tpu.memory_space<vmem>>, vector<16xf32>,
        %parallel_loop3A_421 = arith.mulf %parallel_loop3A_415, %parallel_loop3A_420 : vector<16xf32>
        %parallel_loop3A_422 = arith.addf %parallel_loop3A_404, %parallel_loop3A_421 : vector<16xf32>
        %parallel_loop3A_423 = arith.constant 1 : i32
        %parallel_loop3A_424 = arith.index_cast %parallel_loop3A_423 : i32 to index
        %parallel_loop3A_425 = arith.index_cast %parallel_loop3A_393 : i32 to index
        %parallel_loop3A_426 = arith.constant 16 : index
        %parallel_loop3A_427 = tpu.vector_load %arg14[%parallel_loop3A_424, %parallel_loop3A_425, %parallel_loop3A_426] {strides = array<i32>} : memref<2x128x128xf32, #tpu.memory_space<vmem>>, vector<16xf32>,
        %parallel_loop3A_428 = arith.mulf %parallel_loop3A_415, %parallel_loop3A_427 : vector<16xf32>
        %parallel_loop3A_429 = arith.addf %parallel_loop3A_410, %parallel_loop3A_428 : vector<16xf32>
        %parallel_loop3A_430 = arith.constant 1 : i32
        %parallel_loop3A_431 = arith.index_cast %parallel_loop3A_430 : i32 to index
        %parallel_loop3A_432 = arith.index_cast %parallel_loop3A_393 : i32 to index
        %parallel_loop3A_433 = arith.constant 32 : index
        %parallel_loop3A_434 = tpu.vector_load %arg12[%parallel_loop3A_431, %parallel_loop3A_432, %parallel_loop3A_433] {strides = array<i32>} : memref<2x128x128xf32, #tpu.memory_space<vmem>>, vector<16xf32>,
        %parallel_loop3A_435 = arith.constant 1 : i32
        %parallel_loop3A_436 = arith.index_cast %parallel_loop3A_435 : i32 to index
        %parallel_loop3A_437 = arith.index_cast %parallel_loop3A_393 : i32 to index
        %parallel_loop3A_438 = arith.constant 32 : index
        %parallel_loop3A_439 = tpu.vector_load %arg13[%parallel_loop3A_436, %parallel_loop3A_437, %parallel_loop3A_438] {strides = array<i32>} : memref<2x128x128xf32, #tpu.memory_space<vmem>>, vector<16xf32>,
        %parallel_loop3A_440 = arith.mulf %parallel_loop3A_434, %parallel_loop3A_439 : vector<16xf32>
        %parallel_loop3A_441 = arith.addf %parallel_loop3A_422, %parallel_loop3A_440 : vector<16xf32>
        %parallel_loop3A_442 = arith.constant 1 : i32
        %parallel_loop3A_443 = arith.index_cast %parallel_loop3A_442 : i32 to index
        %parallel_loop3A_444 = arith.index_cast %parallel_loop3A_393 : i32 to index
        %parallel_loop3A_445 = arith.constant 32 : index
        %parallel_loop3A_446 = tpu.vector_load %arg14[%parallel_loop3A_443, %parallel_loop3A_444, %parallel_loop3A_445] {strides = array<i32>} : memref<2x128x128xf32, #tpu.memory_space<vmem>>, vector<16xf32>,
        %parallel_loop3A_447 = arith.mulf %parallel_loop3A_434, %parallel_loop3A_446 : vector<16xf32>
        %parallel_loop3A_448 = arith.addf %parallel_loop3A_429, %parallel_loop3A_447 : vector<16xf32>
        %parallel_loop3A_449 = arith.constant 1 : i32
        %parallel_loop3A_450 = arith.index_cast %parallel_loop3A_449 : i32 to index
        %parallel_loop3A_451 = arith.index_cast %parallel_loop3A_393 : i32 to index
        %parallel_loop3A_452 = arith.constant 48 : index
        %parallel_loop3A_453 = tpu.vector_load %arg12[%parallel_loop3A_450, %parallel_loop3A_451, %parallel_loop3A_452] {strides = array<i32>} : memref<2x128x128xf32, #tpu.memory_space<vmem>>, vector<16xf32>,
        %parallel_loop3A_454 = arith.constant 1 : i32
        %parallel_loop3A_455 = arith.index_cast %parallel_loop3A_454 : i32 to index
        %parallel_loop3A_456 = arith.index_cast %parallel_loop3A_393 : i32 to index
        %parallel_loop3A_457 = arith.constant 48 : index
        %parallel_loop3A_458 = tpu.vector_load %arg13[%parallel_loop3A_455, %parallel_loop3A_456, %parallel_loop3A_457] {strides = array<i32>} : memref<2x128x128xf32, #tpu.memory_space<vmem>>, vector<16xf32>,
        %parallel_loop3A_459 = arith.mulf %parallel_loop3A_453, %parallel_loop3A_458 : vector<16xf32>
        %parallel_loop3A_460 = arith.addf %parallel_loop3A_441, %parallel_loop3A_459 : vector<16xf32>
        %parallel_loop3A_461 = arith.constant 1 : i32
        %parallel_loop3A_462 = arith.index_cast %parallel_loop3A_461 : i32 to index
        %parallel_loop3A_463 = arith.index_cast %parallel_loop3A_393 : i32 to index
        %parallel_loop3A_464 = arith.constant 48 : index
        %parallel_loop3A_465 = tpu.vector_load %arg14[%parallel_loop3A_462, %parallel_loop3A_463, %parallel_loop3A_464] {strides = array<i32>} : memref<2x128x128xf32, #tpu.memory_space<vmem>>, vector<16xf32>,
        %parallel_loop3A_466 = arith.mulf %parallel_loop3A_453, %parallel_loop3A_465 : vector<16xf32>
        %parallel_loop3A_467 = arith.addf %parallel_loop3A_448, %parallel_loop3A_466 : vector<16xf32>
        %parallel_loop3A_468 = arith.constant 1 : i32
        %parallel_loop3A_469 = arith.index_cast %parallel_loop3A_468 : i32 to index
        %parallel_loop3A_470 = arith.index_cast %parallel_loop3A_393 : i32 to index
        %parallel_loop3A_471 = arith.constant 64 : index
        %parallel_loop3A_472 = tpu.vector_load %arg12[%parallel_loop3A_469, %parallel_loop3A_470, %parallel_loop3A_471] {strides = array<i32>} : memref<2x128x128xf32, #tpu.memory_space<vmem>>, vector<16xf32>,
        %parallel_loop3A_473 = arith.constant 1 : i32
        %parallel_loop3A_474 = arith.index_cast %parallel_loop3A_473 : i32 to index
        %parallel_loop3A_475 = arith.index_cast %parallel_loop3A_393 : i32 to index
        %parallel_loop3A_476 = arith.constant 64 : index
        %parallel_loop3A_477 = tpu.vector_load %arg13[%parallel_loop3A_474, %parallel_loop3A_475, %parallel_loop3A_476] {strides = array<i32>} : memref<2x128x128xf32, #tpu.memory_space<vmem>>, vector<16xf32>,
        %parallel_loop3A_478 = arith.mulf %parallel_loop3A_472, %parallel_loop3A_477 : vector<16xf32>
        %parallel_loop3A_479 = arith.addf %parallel_loop3A_460, %parallel_loop3A_478 : vector<16xf32>
        %parallel_loop3A_480 = arith.constant 1 : i32
        %parallel_loop3A_481 = arith.index_cast %parallel_loop3A_480 : i32 to index
        %parallel_loop3A_482 = arith.index_cast %parallel_loop3A_393 : i32 to index
        %parallel_loop3A_483 = arith.constant 64 : index
        %parallel_loop3A_484 = tpu.vector_load %arg14[%parallel_loop3A_481, %parallel_loop3A_482, %parallel_loop3A_483] {strides = array<i32>} : memref<2x128x128xf32, #tpu.memory_space<vmem>>, vector<16xf32>,
        %parallel_loop3A_485 = arith.mulf %parallel_loop3A_472, %parallel_loop3A_484 : vector<16xf32>
        %parallel_loop3A_486 = arith.addf %parallel_loop3A_467, %parallel_loop3A_485 : vector<16xf32>
        %parallel_loop3A_487 = arith.constant 1 : i32
        %parallel_loop3A_488 = arith.index_cast %parallel_loop3A_487 : i32 to index
        %parallel_loop3A_489 = arith.index_cast %parallel_loop3A_393 : i32 to index
        %parallel_loop3A_490 = arith.constant 80 : index
        %parallel_loop3A_491 = tpu.vector_load %arg12[%parallel_loop3A_488, %parallel_loop3A_489, %parallel_loop3A_490] {strides = array<i32>} : memref<2x128x128xf32, #tpu.memory_space<vmem>>, vector<16xf32>,
        %parallel_loop3A_492 = arith.constant 1 : i32
        %parallel_loop3A_493 = arith.index_cast %parallel_loop3A_492 : i32 to index
        %parallel_loop3A_494 = arith.index_cast %parallel_loop3A_393 : i32 to index
        %parallel_loop3A_495 = arith.constant 80 : index
        %parallel_loop3A_496 = tpu.vector_load %arg13[%parallel_loop3A_493, %parallel_loop3A_494, %parallel_loop3A_495] {strides = array<i32>} : memref<2x128x128xf32, #tpu.memory_space<vmem>>, vector<16xf32>,
        %parallel_loop3A_497 = arith.mulf %parallel_loop3A_491, %parallel_loop3A_496 : vector<16xf32>
        %parallel_loop3A_498 = arith.addf %parallel_loop3A_479, %parallel_loop3A_497 : vector<16xf32>
        %parallel_loop3A_499 = arith.constant 1 : i32
        %parallel_loop3A_500 = arith.index_cast %parallel_loop3A_499 : i32 to index
        %parallel_loop3A_501 = arith.index_cast %parallel_loop3A_393 : i32 to index
        %parallel_loop3A_502 = arith.constant 80 : index
        %parallel_loop3A_503 = tpu.vector_load %arg14[%parallel_loop3A_500, %parallel_loop3A_501, %parallel_loop3A_502] {strides = array<i32>} : memref<2x128x128xf32, #tpu.memory_space<vmem>>, vector<16xf32>,
        %parallel_loop3A_504 = arith.mulf %parallel_loop3A_491, %parallel_loop3A_503 : vector<16xf32>
        %parallel_loop3A_505 = arith.addf %parallel_loop3A_486, %parallel_loop3A_504 : vector<16xf32>
        %parallel_loop3A_506 = arith.constant 1 : i32
        %parallel_loop3A_507 = arith.index_cast %parallel_loop3A_506 : i32 to index
        %parallel_loop3A_508 = arith.index_cast %parallel_loop3A_393 : i32 to index
        %parallel_loop3A_509 = arith.constant 96 : index
        %parallel_loop3A_510 = tpu.vector_load %arg12[%parallel_loop3A_507, %parallel_loop3A_508, %parallel_loop3A_509] {strides = array<i32>} : memref<2x128x128xf32, #tpu.memory_space<vmem>>, vector<16xf32>,
        %parallel_loop3A_511 = arith.constant 1 : i32
        %parallel_loop3A_512 = arith.index_cast %parallel_loop3A_511 : i32 to index
        %parallel_loop3A_513 = arith.index_cast %parallel_loop3A_393 : i32 to index
        %parallel_loop3A_514 = arith.constant 96 : index
        %parallel_loop3A_515 = tpu.vector_load %arg13[%parallel_loop3A_512, %parallel_loop3A_513, %parallel_loop3A_514] {strides = array<i32>} : memref<2x128x128xf32, #tpu.memory_space<vmem>>, vector<16xf32>,
        %parallel_loop3A_516 = arith.mulf %parallel_loop3A_510, %parallel_loop3A_515 : vector<16xf32>
        %parallel_loop3A_517 = arith.addf %parallel_loop3A_498, %parallel_loop3A_516 : vector<16xf32>
        %parallel_loop3A_518 = arith.constant 1 : i32
        %parallel_loop3A_519 = arith.index_cast %parallel_loop3A_518 : i32 to index
        %parallel_loop3A_520 = arith.index_cast %parallel_loop3A_393 : i32 to index
        %parallel_loop3A_521 = arith.constant 96 : index
        %parallel_loop3A_522 = tpu.vector_load %arg14[%parallel_loop3A_519, %parallel_loop3A_520, %parallel_loop3A_521] {strides = array<i32>} : memref<2x128x128xf32, #tpu.memory_space<vmem>>, vector<16xf32>,
        %parallel_loop3A_523 = arith.mulf %parallel_loop3A_510, %parallel_loop3A_522 : vector<16xf32>
        %parallel_loop3A_524 = arith.addf %parallel_loop3A_505, %parallel_loop3A_523 : vector<16xf32>
        %parallel_loop3A_525 = arith.constant 1 : i32
        %parallel_loop3A_526 = arith.index_cast %parallel_loop3A_525 : i32 to index
        %parallel_loop3A_527 = arith.index_cast %parallel_loop3A_393 : i32 to index
        %parallel_loop3A_528 = arith.constant 112 : index
        %parallel_loop3A_529 = tpu.vector_load %arg12[%parallel_loop3A_526, %parallel_loop3A_527, %parallel_loop3A_528] {strides = array<i32>} : memref<2x128x128xf32, #tpu.memory_space<vmem>>, vector<16xf32>,
        %parallel_loop3A_530 = arith.constant 1 : i32
        %parallel_loop3A_531 = arith.index_cast %parallel_loop3A_530 : i32 to index
        %parallel_loop3A_532 = arith.index_cast %parallel_loop3A_393 : i32 to index
        %parallel_loop3A_533 = arith.constant 112 : index
        %parallel_loop3A_534 = tpu.vector_load %arg13[%parallel_loop3A_531, %parallel_loop3A_532, %parallel_loop3A_533] {strides = array<i32>} : memref<2x128x128xf32, #tpu.memory_space<vmem>>, vector<16xf32>,
        %parallel_loop3A_535 = arith.mulf %parallel_loop3A_529, %parallel_loop3A_534 : vector<16xf32>
        %parallel_loop3A_536 = arith.addf %parallel_loop3A_517, %parallel_loop3A_535 : vector<16xf32>
        %parallel_loop3A_537 = arith.constant 1 : i32
        %parallel_loop3A_538 = arith.index_cast %parallel_loop3A_537 : i32 to index
        %parallel_loop3A_539 = arith.index_cast %parallel_loop3A_393 : i32 to index
        %parallel_loop3A_540 = arith.constant 112 : index
        %parallel_loop3A_541 = tpu.vector_load %arg14[%parallel_loop3A_538, %parallel_loop3A_539, %parallel_loop3A_540] {strides = array<i32>} : memref<2x128x128xf32, #tpu.memory_space<vmem>>, vector<16xf32>,
        %parallel_loop3A_542 = arith.mulf %parallel_loop3A_529, %parallel_loop3A_541 : vector<16xf32>
        %parallel_loop3A_543 = arith.addf %parallel_loop3A_524, %parallel_loop3A_542 : vector<16xf32>
        %parallel_loop3A_544 = vector.broadcast %scan3A : i32 to vector<16xi32>
        %parallel_loop3A_545 = arith.cmpi eq, %iota3A, %parallel_loop3A_544 : vector<16xi32>
        %parallel_loop3A_546 = arith.constant true
        %parallel_loop3A_547 = vector.broadcast %parallel_loop3A_546 : i1 to vector<16xi1>
        %parallel_loop3A_548 = tpu.scan <sum>, %parallel_loop3A_536 masked %parallel_loop3A_547 : vector<16xf32>, vector<16xi1> -> vector<16xf32>
        %parallel_loop3A_549 = vector.extract %parallel_loop3A_548[15] : f32 from vector<16xf32>
        %parallel_loop3A_550 = vector.broadcast %parallel_loop3A_549 : f32 to vector<16xf32>
        %parallel_loop3A_551 = arith.select %parallel_loop3A_545, %parallel_loop3A_550, %scan3A_389 : vector<16xi1>, vector<16xf32>
        %parallel_loop3A_552 = vector.broadcast %scan3A : i32 to vector<16xi32>
        %parallel_loop3A_553 = arith.cmpi eq, %iota3A, %parallel_loop3A_552 : vector<16xi32>
        %parallel_loop3A_554 = arith.constant true
        %parallel_loop3A_555 = vector.broadcast %parallel_loop3A_554 : i1 to vector<16xi1>
        %parallel_loop3A_556 = tpu.scan <sum>, %parallel_loop3A_543 masked %parallel_loop3A_555 : vector<16xf32>, vector<16xi1> -> vector<16xf32>
        %parallel_loop3A_557 = vector.extract %parallel_loop3A_556[15] : f32 from vector<16xf32>
        %parallel_loop3A_558 = vector.broadcast %parallel_loop3A_557 : f32 to vector<16xf32>
        %parallel_loop3A_559 = arith.select %parallel_loop3A_553, %parallel_loop3A_558, %scan3A_390 : vector<16xi1>, vector<16xf32>
        scf.yield %parallel_loop3A_551, %parallel_loop3A_559 : vector<16xf32>, vector<16xf32>
      }
      %parallel_loop3A_376 = arith.constant 16 : i32
      %parallel_loop3A_377 = arith.constant 16 : i32
      %parallel_loop3A_378 = arith.muli %parallel_loop3A_368, %parallel_loop3A_377 : i32
      %parallel_loop3A_379 = arith.constant 128 : i32
      %parallel_loop3A_380 = arith.addi %parallel_loop3A_379, %parallel_loop3A_378 : i32
      %parallel_loop3A_381 = arith.index_cast %parallel_loop3A_380 : i32 to index
      %parallel_loop3A_382 = tpu.vector_load %arg15[%parallel_loop3A_381] {strides = array<i32>} : memref<512xf32, #tpu.memory_space<vmem>>, vector<16xf32>,
      tpu.vector_store %arg15[%parallel_loop3A_381], %parallel_loop3A_375#0 {strides = array<i32>} : memref<512xf32, #tpu.memory_space<vmem>>, vector<16xf32>,
      %parallel_loop3A_383 = arith.constant 16 : i32
      %parallel_loop3A_384 = arith.muli %parallel_loop3A_368, %parallel_loop3A_383 : i32
      %parallel_loop3A_385 = arith.constant 128 : i32
      %parallel_loop3A_386 = arith.addi %parallel_loop3A_385, %parallel_loop3A_384 : i32
      %parallel_loop3A_387 = arith.index_cast %parallel_loop3A_386 : i32 to index
      %parallel_loop3A_388 = tpu.vector_load %arg16[%parallel_loop3A_387] {strides = array<i32>} : memref<512xf32, #tpu.memory_space<vmem>>, vector<16xf32>,
      tpu.vector_store %arg16[%parallel_loop3A_387], %parallel_loop3A_375#1 {strides = array<i32>} : memref<512xf32, #tpu.memory_space<vmem>>, vector<16xf32>,
    } {sc.loop_unroll_factor = 1 : i64, sc.parallel_access}
    %add3A_182 = arith.constant 128 : i32
    %add3A_183 = arith.addi %mul3A_2, %add3A_182 : i32
    %dma_start3A_184 = arith.constant 128 : i32
    %dma_start3A_185 = tpu.memref_slice %arg15[%dma_start3A_184] : memref<512xf32, #tpu.memory_space<vmem>> -> memref<128xf32, #tpu.memory_space<vmem>>
    %dma_start3A_186 = tpu.memref_slice %arg7[%add3A_183] : memref<16384xf32, #tpu.memory_space<hbm>> -> memref<128xf32, #tpu.memory_space<hbm>>
    %dma_start3A_187 = tpu.memref_slice %arg7[%add3A_183] : memref<16384xf32, #tpu.memory_space<hbm>> -> memref<128xf32, #tpu.memory_space<hbm>>
    %dma_start3A_188 = arith.constant 128 : i32
    %dma_start3A_189 = tpu.memref_slice %arg15[%dma_start3A_188] : memref<512xf32, #tpu.memory_space<vmem>> -> memref<128xf32, #tpu.memory_space<vmem>>
    tpu.enqueue_dma source(%dma_start3A_189 : memref<128xf32, #tpu.memory_space<vmem>>) target(%dma_start3A_187 : memref<128xf32, #tpu.memory_space<hbm>>) target_semaphore(%arg19 : memref<!tpu.dma_semaphore, #tpu.memory_space<semaphore_mem>>)
    %dma_start3A_190 = arith.constant 128 : i32
    %dma_start3A_191 = tpu.memref_slice %arg16[%dma_start3A_190] : memref<512xf32, #tpu.memory_space<vmem>> -> memref<128xf32, #tpu.memory_space<vmem>>
    %dma_start3A_192 = tpu.memref_slice %arg8[%add3A_183] : memref<16384xf32, #tpu.memory_space<hbm>> -> memref<128xf32, #tpu.memory_space<hbm>>
    %dma_start3A_193 = tpu.memref_slice %arg8[%add3A_183] : memref<16384xf32, #tpu.memory_space<hbm>> -> memref<128xf32, #tpu.memory_space<hbm>>
    %dma_start3A_194 = arith.constant 128 : i32
    %dma_start3A_195 = tpu.memref_slice %arg16[%dma_start3A_194] : memref<512xf32, #tpu.memory_space<vmem>> -> memref<128xf32, #tpu.memory_space<vmem>>
    tpu.enqueue_dma source(%dma_start3A_195 : memref<128xf32, #tpu.memory_space<vmem>>) target(%dma_start3A_193 : memref<128xf32, #tpu.memory_space<hbm>>) target_semaphore(%arg19 : memref<!tpu.dma_semaphore, #tpu.memory_space<semaphore_mem>>)
    %dma_start3A_196 = arith.constant 1 : i32
    %dma_start3A_197 = arith.constant 0 : i32
    %dma_start3A_198 = arith.constant 0 : i32
    %dma_start3A_199 = tpu.memref_slice %arg12[%dma_start3A_196, %dma_start3A_197, %dma_start3A_198] : memref<2x128x128xf32, #tpu.memory_space<vmem>> -> memref<1x128x128xf32, #tpu.memory_space<vmem>>
    %dma_start3A_200 = tpu.memref_squeeze %dma_start3A_199 : memref<1x128x128xf32, #tpu.memory_space<vmem>> -> memref<128x128xf32, #tpu.memory_space<vmem>>
    %dma_start3A_201 = arith.constant 384 : i32
    %dma_start3A_202 = tpu.memref_slice %arg9[%dma_start3A_201] : memref<512xi32, #tpu.memory_space<vmem>> -> memref<128xi32, #tpu.memory_space<vmem>>
    %dma_start3A_203 = arith.constant 0 : i32
    %dma_start3A_204 = arith.constant 0 : i32
    %dma_start3A_205 = tpu.memref_slice %arg5[%dma_start3A_203, %dma_start3A_204] : memref<100000x128xf32, #tpu.memory_space<hbm>> -> memref<100000x128xf32, #tpu.memory_space<hbm>>
    tpu.enqueue_indirect_dma source(%dma_start3A_205 : memref<100000x128xf32, #tpu.memory_space<hbm>>) target(%dma_start3A_200 : memref<128x128xf32, #tpu.memory_space<vmem>>) offsets(%dma_start3A_202 : memref<128xi32, #tpu.memory_space<vmem>>) semaphore(%arg18 : memref<!tpu.dma_semaphore, #tpu.memory_space<semaphore_mem>>)
    %dma_start3A_206 = arith.constant 1 : i32
    %dma_start3A_207 = arith.constant 0 : i32
    %dma_start3A_208 = arith.constant 0 : i32
    %dma_start3A_209 = tpu.memref_slice %arg13[%dma_start3A_206, %dma_start3A_207, %dma_start3A_208] : memref<2x128x128xf32, #tpu.memory_space<vmem>> -> memref<1x128x128xf32, #tpu.memory_space<vmem>>
    %dma_start3A_210 = tpu.memref_squeeze %dma_start3A_209 : memref<1x128x128xf32, #tpu.memory_space<vmem>> -> memref<128x128xf32, #tpu.memory_space<vmem>>
    %dma_start3A_211 = arith.constant 384 : i32
    %dma_start3A_212 = tpu.memref_slice %arg10[%dma_start3A_211] : memref<512xi32, #tpu.memory_space<vmem>> -> memref<128xi32, #tpu.memory_space<vmem>>
    %dma_start3A_213 = arith.constant 0 : i32
    %dma_start3A_214 = arith.constant 0 : i32
    %dma_start3A_215 = tpu.memref_slice %arg6[%dma_start3A_213, %dma_start3A_214] : memref<100000x128xf32, #tpu.memory_space<hbm>> -> memref<100000x128xf32, #tpu.memory_space<hbm>>
    tpu.enqueue_indirect_dma source(%dma_start3A_215 : memref<100000x128xf32, #tpu.memory_space<hbm>>) target(%dma_start3A_210 : memref<128x128xf32, #tpu.memory_space<vmem>>) offsets(%dma_start3A_212 : memref<128xi32, #tpu.memory_space<vmem>>) semaphore(%arg18 : memref<!tpu.dma_semaphore, #tpu.memory_space<semaphore_mem>>)
    %dma_start3A_216 = arith.constant 1 : i32
    %dma_start3A_217 = arith.constant 0 : i32
    %dma_start3A_218 = arith.constant 0 : i32
    %dma_start3A_219 = tpu.memref_slice %arg14[%dma_start3A_216, %dma_start3A_217, %dma_start3A_218] : memref<2x128x128xf32, #tpu.memory_space<vmem>> -> memref<1x128x128xf32, #tpu.memory_space<vmem>>
    %dma_start3A_220 = tpu.memref_squeeze %dma_start3A_219 : memref<1x128x128xf32, #tpu.memory_space<vmem>> -> memref<128x128xf32, #tpu.memory_space<vmem>>
    %dma_start3A_221 = arith.constant 384 : i32
    %dma_start3A_222 = tpu.memref_slice %arg11[%dma_start3A_221] : memref<512xi32, #tpu.memory_space<vmem>> -> memref<128xi32, #tpu.memory_space<vmem>>
    %dma_start3A_223 = arith.constant 0 : i32
    %dma_start3A_224 = arith.constant 0 : i32
    %dma_start3A_225 = tpu.memref_slice %arg6[%dma_start3A_223, %dma_start3A_224] : memref<100000x128xf32, #tpu.memory_space<hbm>> -> memref<100000x128xf32, #tpu.memory_space<hbm>>
    tpu.enqueue_indirect_dma source(%dma_start3A_225 : memref<100000x128xf32, #tpu.memory_space<hbm>>) target(%dma_start3A_220 : memref<128x128xf32, #tpu.memory_space<vmem>>) offsets(%dma_start3A_222 : memref<128xi32, #tpu.memory_space<vmem>>) semaphore(%arg18 : memref<!tpu.dma_semaphore, #tpu.memory_space<semaphore_mem>>)
    %dma_wait3A_226 = arith.constant 0 : i32
    %dma_wait3A_227 = arith.constant 0 : i32
    %dma_wait3A_228 = arith.constant 0 : i32
    %dma_wait3A_229 = tpu.memref_slice %arg12[%dma_wait3A_226, %dma_wait3A_227, %dma_wait3A_228] : memref<2x128x128xf32, #tpu.memory_space<vmem>> -> memref<1x128x128xf32, #tpu.memory_space<vmem>>
    %dma_wait3A_230 = tpu.memref_squeeze %dma_wait3A_229 : memref<1x128x128xf32, #tpu.memory_space<vmem>> -> memref<128x128xf32, #tpu.memory_space<vmem>>
    %dma_wait3A_231 = arith.constant 256 : i32
    %dma_wait3A_232 = tpu.memref_slice %arg9[%dma_wait3A_231] : memref<512xi32, #tpu.memory_space<vmem>> -> memref<128xi32, #tpu.memory_space<vmem>>
    %dma_wait3A_233 = arith.constant 0 : i32
    %dma_wait3A_234 = arith.constant 0 : i32
    %dma_wait3A_235 = tpu.memref_slice %arg5[%dma_wait3A_233, %dma_wait3A_234] : memref<100000x128xf32, #tpu.memory_space<hbm>> -> memref<100000x128xf32, #tpu.memory_space<hbm>>
    tpu.wait_indirect_dma semaphore(%arg17 : memref<!tpu.dma_semaphore, #tpu.memory_space<semaphore_mem>>) src(%dma_wait3A_235 : memref<100000x128xf32, #tpu.memory_space<hbm>>) dst(%dma_wait3A_230 : memref<128x128xf32, #tpu.memory_space<vmem>>)
    %dma_wait3A_236 = arith.constant 0 : i32
    %dma_wait3A_237 = arith.constant 0 : i32
    %dma_wait3A_238 = arith.constant 0 : i32
    %dma_wait3A_239 = tpu.memref_slice %arg13[%dma_wait3A_236, %dma_wait3A_237, %dma_wait3A_238] : memref<2x128x128xf32, #tpu.memory_space<vmem>> -> memref<1x128x128xf32, #tpu.memory_space<vmem>>
    %dma_wait3A_240 = tpu.memref_squeeze %dma_wait3A_239 : memref<1x128x128xf32, #tpu.memory_space<vmem>> -> memref<128x128xf32, #tpu.memory_space<vmem>>
    %dma_wait3A_241 = arith.constant 256 : i32
    %dma_wait3A_242 = tpu.memref_slice %arg10[%dma_wait3A_241] : memref<512xi32, #tpu.memory_space<vmem>> -> memref<128xi32, #tpu.memory_space<vmem>>
    %dma_wait3A_243 = arith.constant 0 : i32
    %dma_wait3A_244 = arith.constant 0 : i32
    %dma_wait3A_245 = tpu.memref_slice %arg6[%dma_wait3A_243, %dma_wait3A_244] : memref<100000x128xf32, #tpu.memory_space<hbm>> -> memref<100000x128xf32, #tpu.memory_space<hbm>>
    tpu.wait_indirect_dma semaphore(%arg17 : memref<!tpu.dma_semaphore, #tpu.memory_space<semaphore_mem>>) src(%dma_wait3A_245 : memref<100000x128xf32, #tpu.memory_space<hbm>>) dst(%dma_wait3A_240 : memref<128x128xf32, #tpu.memory_space<vmem>>)
    %dma_wait3A_246 = arith.constant 0 : i32
    %dma_wait3A_247 = arith.constant 0 : i32
    %dma_wait3A_248 = arith.constant 0 : i32
    %dma_wait3A_249 = tpu.memref_slice %arg14[%dma_wait3A_246, %dma_wait3A_247, %dma_wait3A_248] : memref<2x128x128xf32, #tpu.memory_space<vmem>> -> memref<1x128x128xf32, #tpu.memory_space<vmem>>
    %dma_wait3A_250 = tpu.memref_squeeze %dma_wait3A_249 : memref<1x128x128xf32, #tpu.memory_space<vmem>> -> memref<128x128xf32, #tpu.memory_space<vmem>>
    %dma_wait3A_251 = arith.constant 256 : i32
    %dma_wait3A_252 = tpu.memref_slice %arg11[%dma_wait3A_251] : memref<512xi32, #tpu.memory_space<vmem>> -> memref<128xi32, #tpu.memory_space<vmem>>
    %dma_wait3A_253 = arith.constant 0 : i32
    %dma_wait3A_254 = arith.constant 0 : i32
    %dma_wait3A_255 = tpu.memref_slice %arg6[%dma_wait3A_253, %dma_wait3A_254] : memref<100000x128xf32, #tpu.memory_space<hbm>> -> memref<100000x128xf32, #tpu.memory_space<hbm>>
    tpu.wait_indirect_dma semaphore(%arg17 : memref<!tpu.dma_semaphore, #tpu.memory_space<semaphore_mem>>) src(%dma_wait3A_255 : memref<100000x128xf32, #tpu.memory_space<hbm>>) dst(%dma_wait3A_250 : memref<128x128xf32, #tpu.memory_space<vmem>>)
    %parallel_loop3A_256 = arith.constant 0 : i32
    %parallel_loop3A_257 = arith.constant 8 : i32
    %parallel_loop3A_258 = arith.constant 1 : i32
    scf.for %parallel_loop3A_368 = %parallel_loop3A_256 to %parallel_loop3A_257 step %parallel_loop3A_258  : i32 {
      %parallel_loop3A_369 = arith.constant 0.000000e+00 : f32
      %parallel_loop3A_370 = vector.broadcast %parallel_loop3A_369 : f32 to vector<16xf32>
      %parallel_loop3A_371 = arith.constant 0 : i32
      %parallel_loop3A_372 = arith.constant 16 : i32
      %parallel_loop3A_373 = arith.addi %parallel_loop3A_371, %parallel_loop3A_372 : i32
      %parallel_loop3A_374 = arith.constant 1 : i32
      %parallel_loop3A_375:2 = scf.for %scan3A = %parallel_loop3A_371 to %parallel_loop3A_373 step %parallel_loop3A_374 iter_args(%scan3A_389 = %parallel_loop3A_370, %scan3A_390 = %parallel_loop3A_370) -> (vector<16xf32>, vector<16xf32>)  : i32 {
        %parallel_loop3A_391 = arith.constant 16 : i32
        %parallel_loop3A_392 = arith.muli %parallel_loop3A_368, %parallel_loop3A_391 : i32
        %parallel_loop3A_393 = arith.addi %parallel_loop3A_392, %scan3A : i32
        %parallel_loop3A_394 = arith.constant 0 : i32
        %parallel_loop3A_395 = arith.index_cast %parallel_loop3A_394 : i32 to index
        %parallel_loop3A_396 = arith.index_cast %parallel_loop3A_393 : i32 to index
        %parallel_loop3A_397 = arith.constant 0 : index
        %parallel_loop3A_398 = tpu.vector_load %arg12[%parallel_loop3A_395, %parallel_loop3A_396, %parallel_loop3A_397] {strides = array<i32>} : memref<2x128x128xf32, #tpu.memory_space<vmem>>, vector<16xf32>,
        %parallel_loop3A_399 = arith.constant 0 : i32
        %parallel_loop3A_400 = arith.index_cast %parallel_loop3A_399 : i32 to index
        %parallel_loop3A_401 = arith.index_cast %parallel_loop3A_393 : i32 to index
        %parallel_loop3A_402 = arith.constant 0 : index
        %parallel_loop3A_403 = tpu.vector_load %arg13[%parallel_loop3A_400, %parallel_loop3A_401, %parallel_loop3A_402] {strides = array<i32>} : memref<2x128x128xf32, #tpu.memory_space<vmem>>, vector<16xf32>,
        %parallel_loop3A_404 = arith.mulf %parallel_loop3A_398, %parallel_loop3A_403 : vector<16xf32>
        %parallel_loop3A_405 = arith.constant 0 : i32
        %parallel_loop3A_406 = arith.index_cast %parallel_loop3A_405 : i32 to index
        %parallel_loop3A_407 = arith.index_cast %parallel_loop3A_393 : i32 to index
        %parallel_loop3A_408 = arith.constant 0 : index
        %parallel_loop3A_409 = tpu.vector_load %arg14[%parallel_loop3A_406, %parallel_loop3A_407, %parallel_loop3A_408] {strides = array<i32>} : memref<2x128x128xf32, #tpu.memory_space<vmem>>, vector<16xf32>,
        %parallel_loop3A_410 = arith.mulf %parallel_loop3A_398, %parallel_loop3A_409 : vector<16xf32>
        %parallel_loop3A_411 = arith.constant 0 : i32
        %parallel_loop3A_412 = arith.index_cast %parallel_loop3A_411 : i32 to index
        %parallel_loop3A_413 = arith.index_cast %parallel_loop3A_393 : i32 to index
        %parallel_loop3A_414 = arith.constant 16 : index
        %parallel_loop3A_415 = tpu.vector_load %arg12[%parallel_loop3A_412, %parallel_loop3A_413, %parallel_loop3A_414] {strides = array<i32>} : memref<2x128x128xf32, #tpu.memory_space<vmem>>, vector<16xf32>,
        %parallel_loop3A_416 = arith.constant 0 : i32
        %parallel_loop3A_417 = arith.index_cast %parallel_loop3A_416 : i32 to index
        %parallel_loop3A_418 = arith.index_cast %parallel_loop3A_393 : i32 to index
        %parallel_loop3A_419 = arith.constant 16 : index
        %parallel_loop3A_420 = tpu.vector_load %arg13[%parallel_loop3A_417, %parallel_loop3A_418, %parallel_loop3A_419] {strides = array<i32>} : memref<2x128x128xf32, #tpu.memory_space<vmem>>, vector<16xf32>,
        %parallel_loop3A_421 = arith.mulf %parallel_loop3A_415, %parallel_loop3A_420 : vector<16xf32>
        %parallel_loop3A_422 = arith.addf %parallel_loop3A_404, %parallel_loop3A_421 : vector<16xf32>
        %parallel_loop3A_423 = arith.constant 0 : i32
        %parallel_loop3A_424 = arith.index_cast %parallel_loop3A_423 : i32 to index
        %parallel_loop3A_425 = arith.index_cast %parallel_loop3A_393 : i32 to index
        %parallel_loop3A_426 = arith.constant 16 : index
        %parallel_loop3A_427 = tpu.vector_load %arg14[%parallel_loop3A_424, %parallel_loop3A_425, %parallel_loop3A_426] {strides = array<i32>} : memref<2x128x128xf32, #tpu.memory_space<vmem>>, vector<16xf32>,
        %parallel_loop3A_428 = arith.mulf %parallel_loop3A_415, %parallel_loop3A_427 : vector<16xf32>
        %parallel_loop3A_429 = arith.addf %parallel_loop3A_410, %parallel_loop3A_428 : vector<16xf32>
        %parallel_loop3A_430 = arith.constant 0 : i32
        %parallel_loop3A_431 = arith.index_cast %parallel_loop3A_430 : i32 to index
        %parallel_loop3A_432 = arith.index_cast %parallel_loop3A_393 : i32 to index
        %parallel_loop3A_433 = arith.constant 32 : index
        %parallel_loop3A_434 = tpu.vector_load %arg12[%parallel_loop3A_431, %parallel_loop3A_432, %parallel_loop3A_433] {strides = array<i32>} : memref<2x128x128xf32, #tpu.memory_space<vmem>>, vector<16xf32>,
        %parallel_loop3A_435 = arith.constant 0 : i32
        %parallel_loop3A_436 = arith.index_cast %parallel_loop3A_435 : i32 to index
        %parallel_loop3A_437 = arith.index_cast %parallel_loop3A_393 : i32 to index
        %parallel_loop3A_438 = arith.constant 32 : index
        %parallel_loop3A_439 = tpu.vector_load %arg13[%parallel_loop3A_436, %parallel_loop3A_437, %parallel_loop3A_438] {strides = array<i32>} : memref<2x128x128xf32, #tpu.memory_space<vmem>>, vector<16xf32>,
        %parallel_loop3A_440 = arith.mulf %parallel_loop3A_434, %parallel_loop3A_439 : vector<16xf32>
        %parallel_loop3A_441 = arith.addf %parallel_loop3A_422, %parallel_loop3A_440 : vector<16xf32>
        %parallel_loop3A_442 = arith.constant 0 : i32
        %parallel_loop3A_443 = arith.index_cast %parallel_loop3A_442 : i32 to index
        %parallel_loop3A_444 = arith.index_cast %parallel_loop3A_393 : i32 to index
        %parallel_loop3A_445 = arith.constant 32 : index
        %parallel_loop3A_446 = tpu.vector_load %arg14[%parallel_loop3A_443, %parallel_loop3A_444, %parallel_loop3A_445] {strides = array<i32>} : memref<2x128x128xf32, #tpu.memory_space<vmem>>, vector<16xf32>,
        %parallel_loop3A_447 = arith.mulf %parallel_loop3A_434, %parallel_loop3A_446 : vector<16xf32>
        %parallel_loop3A_448 = arith.addf %parallel_loop3A_429, %parallel_loop3A_447 : vector<16xf32>
        %parallel_loop3A_449 = arith.constant 0 : i32
        %parallel_loop3A_450 = arith.index_cast %parallel_loop3A_449 : i32 to index
        %parallel_loop3A_451 = arith.index_cast %parallel_loop3A_393 : i32 to index
        %parallel_loop3A_452 = arith.constant 48 : index
        %parallel_loop3A_453 = tpu.vector_load %arg12[%parallel_loop3A_450, %parallel_loop3A_451, %parallel_loop3A_452] {strides = array<i32>} : memref<2x128x128xf32, #tpu.memory_space<vmem>>, vector<16xf32>,
        %parallel_loop3A_454 = arith.constant 0 : i32
        %parallel_loop3A_455 = arith.index_cast %parallel_loop3A_454 : i32 to index
        %parallel_loop3A_456 = arith.index_cast %parallel_loop3A_393 : i32 to index
        %parallel_loop3A_457 = arith.constant 48 : index
        %parallel_loop3A_458 = tpu.vector_load %arg13[%parallel_loop3A_455, %parallel_loop3A_456, %parallel_loop3A_457] {strides = array<i32>} : memref<2x128x128xf32, #tpu.memory_space<vmem>>, vector<16xf32>,
        %parallel_loop3A_459 = arith.mulf %parallel_loop3A_453, %parallel_loop3A_458 : vector<16xf32>
        %parallel_loop3A_460 = arith.addf %parallel_loop3A_441, %parallel_loop3A_459 : vector<16xf32>
        %parallel_loop3A_461 = arith.constant 0 : i32
        %parallel_loop3A_462 = arith.index_cast %parallel_loop3A_461 : i32 to index
        %parallel_loop3A_463 = arith.index_cast %parallel_loop3A_393 : i32 to index
        %parallel_loop3A_464 = arith.constant 48 : index
        %parallel_loop3A_465 = tpu.vector_load %arg14[%parallel_loop3A_462, %parallel_loop3A_463, %parallel_loop3A_464] {strides = array<i32>} : memref<2x128x128xf32, #tpu.memory_space<vmem>>, vector<16xf32>,
        %parallel_loop3A_466 = arith.mulf %parallel_loop3A_453, %parallel_loop3A_465 : vector<16xf32>
        %parallel_loop3A_467 = arith.addf %parallel_loop3A_448, %parallel_loop3A_466 : vector<16xf32>
        %parallel_loop3A_468 = arith.constant 0 : i32
        %parallel_loop3A_469 = arith.index_cast %parallel_loop3A_468 : i32 to index
        %parallel_loop3A_470 = arith.index_cast %parallel_loop3A_393 : i32 to index
        %parallel_loop3A_471 = arith.constant 64 : index
        %parallel_loop3A_472 = tpu.vector_load %arg12[%parallel_loop3A_469, %parallel_loop3A_470, %parallel_loop3A_471] {strides = array<i32>} : memref<2x128x128xf32, #tpu.memory_space<vmem>>, vector<16xf32>,
        %parallel_loop3A_473 = arith.constant 0 : i32
        %parallel_loop3A_474 = arith.index_cast %parallel_loop3A_473 : i32 to index
        %parallel_loop3A_475 = arith.index_cast %parallel_loop3A_393 : i32 to index
        %parallel_loop3A_476 = arith.constant 64 : index
        %parallel_loop3A_477 = tpu.vector_load %arg13[%parallel_loop3A_474, %parallel_loop3A_475, %parallel_loop3A_476] {strides = array<i32>} : memref<2x128x128xf32, #tpu.memory_space<vmem>>, vector<16xf32>,
        %parallel_loop3A_478 = arith.mulf %parallel_loop3A_472, %parallel_loop3A_477 : vector<16xf32>
        %parallel_loop3A_479 = arith.addf %parallel_loop3A_460, %parallel_loop3A_478 : vector<16xf32>
        %parallel_loop3A_480 = arith.constant 0 : i32
        %parallel_loop3A_481 = arith.index_cast %parallel_loop3A_480 : i32 to index
        %parallel_loop3A_482 = arith.index_cast %parallel_loop3A_393 : i32 to index
        %parallel_loop3A_483 = arith.constant 64 : index
        %parallel_loop3A_484 = tpu.vector_load %arg14[%parallel_loop3A_481, %parallel_loop3A_482, %parallel_loop3A_483] {strides = array<i32>} : memref<2x128x128xf32, #tpu.memory_space<vmem>>, vector<16xf32>,
        %parallel_loop3A_485 = arith.mulf %parallel_loop3A_472, %parallel_loop3A_484 : vector<16xf32>
        %parallel_loop3A_486 = arith.addf %parallel_loop3A_467, %parallel_loop3A_485 : vector<16xf32>
        %parallel_loop3A_487 = arith.constant 0 : i32
        %parallel_loop3A_488 = arith.index_cast %parallel_loop3A_487 : i32 to index
        %parallel_loop3A_489 = arith.index_cast %parallel_loop3A_393 : i32 to index
        %parallel_loop3A_490 = arith.constant 80 : index
        %parallel_loop3A_491 = tpu.vector_load %arg12[%parallel_loop3A_488, %parallel_loop3A_489, %parallel_loop3A_490] {strides = array<i32>} : memref<2x128x128xf32, #tpu.memory_space<vmem>>, vector<16xf32>,
        %parallel_loop3A_492 = arith.constant 0 : i32
        %parallel_loop3A_493 = arith.index_cast %parallel_loop3A_492 : i32 to index
        %parallel_loop3A_494 = arith.index_cast %parallel_loop3A_393 : i32 to index
        %parallel_loop3A_495 = arith.constant 80 : index
        %parallel_loop3A_496 = tpu.vector_load %arg13[%parallel_loop3A_493, %parallel_loop3A_494, %parallel_loop3A_495] {strides = array<i32>} : memref<2x128x128xf32, #tpu.memory_space<vmem>>, vector<16xf32>,
        %parallel_loop3A_497 = arith.mulf %parallel_loop3A_491, %parallel_loop3A_496 : vector<16xf32>
        %parallel_loop3A_498 = arith.addf %parallel_loop3A_479, %parallel_loop3A_497 : vector<16xf32>
        %parallel_loop3A_499 = arith.constant 0 : i32
        %parallel_loop3A_500 = arith.index_cast %parallel_loop3A_499 : i32 to index
        %parallel_loop3A_501 = arith.index_cast %parallel_loop3A_393 : i32 to index
        %parallel_loop3A_502 = arith.constant 80 : index
        %parallel_loop3A_503 = tpu.vector_load %arg14[%parallel_loop3A_500, %parallel_loop3A_501, %parallel_loop3A_502] {strides = array<i32>} : memref<2x128x128xf32, #tpu.memory_space<vmem>>, vector<16xf32>,
        %parallel_loop3A_504 = arith.mulf %parallel_loop3A_491, %parallel_loop3A_503 : vector<16xf32>
        %parallel_loop3A_505 = arith.addf %parallel_loop3A_486, %parallel_loop3A_504 : vector<16xf32>
        %parallel_loop3A_506 = arith.constant 0 : i32
        %parallel_loop3A_507 = arith.index_cast %parallel_loop3A_506 : i32 to index
        %parallel_loop3A_508 = arith.index_cast %parallel_loop3A_393 : i32 to index
        %parallel_loop3A_509 = arith.constant 96 : index
        %parallel_loop3A_510 = tpu.vector_load %arg12[%parallel_loop3A_507, %parallel_loop3A_508, %parallel_loop3A_509] {strides = array<i32>} : memref<2x128x128xf32, #tpu.memory_space<vmem>>, vector<16xf32>,
        %parallel_loop3A_511 = arith.constant 0 : i32
        %parallel_loop3A_512 = arith.index_cast %parallel_loop3A_511 : i32 to index
        %parallel_loop3A_513 = arith.index_cast %parallel_loop3A_393 : i32 to index
        %parallel_loop3A_514 = arith.constant 96 : index
        %parallel_loop3A_515 = tpu.vector_load %arg13[%parallel_loop3A_512, %parallel_loop3A_513, %parallel_loop3A_514] {strides = array<i32>} : memref<2x128x128xf32, #tpu.memory_space<vmem>>, vector<16xf32>,
        %parallel_loop3A_516 = arith.mulf %parallel_loop3A_510, %parallel_loop3A_515 : vector<16xf32>
        %parallel_loop3A_517 = arith.addf %parallel_loop3A_498, %parallel_loop3A_516 : vector<16xf32>
        %parallel_loop3A_518 = arith.constant 0 : i32
        %parallel_loop3A_519 = arith.index_cast %parallel_loop3A_518 : i32 to index
        %parallel_loop3A_520 = arith.index_cast %parallel_loop3A_393 : i32 to index
        %parallel_loop3A_521 = arith.constant 96 : index
        %parallel_loop3A_522 = tpu.vector_load %arg14[%parallel_loop3A_519, %parallel_loop3A_520, %parallel_loop3A_521] {strides = array<i32>} : memref<2x128x128xf32, #tpu.memory_space<vmem>>, vector<16xf32>,
        %parallel_loop3A_523 = arith.mulf %parallel_loop3A_510, %parallel_loop3A_522 : vector<16xf32>
        %parallel_loop3A_524 = arith.addf %parallel_loop3A_505, %parallel_loop3A_523 : vector<16xf32>
        %parallel_loop3A_525 = arith.constant 0 : i32
        %parallel_loop3A_526 = arith.index_cast %parallel_loop3A_525 : i32 to index
        %parallel_loop3A_527 = arith.index_cast %parallel_loop3A_393 : i32 to index
        %parallel_loop3A_528 = arith.constant 112 : index
        %parallel_loop3A_529 = tpu.vector_load %arg12[%parallel_loop3A_526, %parallel_loop3A_527, %parallel_loop3A_528] {strides = array<i32>} : memref<2x128x128xf32, #tpu.memory_space<vmem>>, vector<16xf32>,
        %parallel_loop3A_530 = arith.constant 0 : i32
        %parallel_loop3A_531 = arith.index_cast %parallel_loop3A_530 : i32 to index
        %parallel_loop3A_532 = arith.index_cast %parallel_loop3A_393 : i32 to index
        %parallel_loop3A_533 = arith.constant 112 : index
        %parallel_loop3A_534 = tpu.vector_load %arg13[%parallel_loop3A_531, %parallel_loop3A_532, %parallel_loop3A_533] {strides = array<i32>} : memref<2x128x128xf32, #tpu.memory_space<vmem>>, vector<16xf32>,
        %parallel_loop3A_535 = arith.mulf %parallel_loop3A_529, %parallel_loop3A_534 : vector<16xf32>
        %parallel_loop3A_536 = arith.addf %parallel_loop3A_517, %parallel_loop3A_535 : vector<16xf32>
        %parallel_loop3A_537 = arith.constant 0 : i32
        %parallel_loop3A_538 = arith.index_cast %parallel_loop3A_537 : i32 to index
        %parallel_loop3A_539 = arith.index_cast %parallel_loop3A_393 : i32 to index
        %parallel_loop3A_540 = arith.constant 112 : index
        %parallel_loop3A_541 = tpu.vector_load %arg14[%parallel_loop3A_538, %parallel_loop3A_539, %parallel_loop3A_540] {strides = array<i32>} : memref<2x128x128xf32, #tpu.memory_space<vmem>>, vector<16xf32>,
        %parallel_loop3A_542 = arith.mulf %parallel_loop3A_529, %parallel_loop3A_541 : vector<16xf32>
        %parallel_loop3A_543 = arith.addf %parallel_loop3A_524, %parallel_loop3A_542 : vector<16xf32>
        %parallel_loop3A_544 = vector.broadcast %scan3A : i32 to vector<16xi32>
        %parallel_loop3A_545 = arith.cmpi eq, %iota3A, %parallel_loop3A_544 : vector<16xi32>
        %parallel_loop3A_546 = arith.constant true
        %parallel_loop3A_547 = vector.broadcast %parallel_loop3A_546 : i1 to vector<16xi1>
        %parallel_loop3A_548 = tpu.scan <sum>, %parallel_loop3A_536 masked %parallel_loop3A_547 : vector<16xf32>, vector<16xi1> -> vector<16xf32>
        %parallel_loop3A_549 = vector.extract %parallel_loop3A_548[15] : f32 from vector<16xf32>
        %parallel_loop3A_550 = vector.broadcast %parallel_loop3A_549 : f32 to vector<16xf32>
        %parallel_loop3A_551 = arith.select %parallel_loop3A_545, %parallel_loop3A_550, %scan3A_389 : vector<16xi1>, vector<16xf32>
        %parallel_loop3A_552 = vector.broadcast %scan3A : i32 to vector<16xi32>
        %parallel_loop3A_553 = arith.cmpi eq, %iota3A, %parallel_loop3A_552 : vector<16xi32>
        %parallel_loop3A_554 = arith.constant true
        %parallel_loop3A_555 = vector.broadcast %parallel_loop3A_554 : i1 to vector<16xi1>
        %parallel_loop3A_556 = tpu.scan <sum>, %parallel_loop3A_543 masked %parallel_loop3A_555 : vector<16xf32>, vector<16xi1> -> vector<16xf32>
        %parallel_loop3A_557 = vector.extract %parallel_loop3A_556[15] : f32 from vector<16xf32>
        %parallel_loop3A_558 = vector.broadcast %parallel_loop3A_557 : f32 to vector<16xf32>
        %parallel_loop3A_559 = arith.select %parallel_loop3A_553, %parallel_loop3A_558, %scan3A_390 : vector<16xi1>, vector<16xf32>
        scf.yield %parallel_loop3A_551, %parallel_loop3A_559 : vector<16xf32>, vector<16xf32>
      }
      %parallel_loop3A_376 = arith.constant 16 : i32
      %parallel_loop3A_377 = arith.constant 16 : i32
      %parallel_loop3A_378 = arith.muli %parallel_loop3A_368, %parallel_loop3A_377 : i32
      %parallel_loop3A_379 = arith.constant 256 : i32
      %parallel_loop3A_380 = arith.addi %parallel_loop3A_379, %parallel_loop3A_378 : i32
      %parallel_loop3A_381 = arith.index_cast %parallel_loop3A_380 : i32 to index
      %parallel_loop3A_382 = tpu.vector_load %arg15[%parallel_loop3A_381] {strides = array<i32>} : memref<512xf32, #tpu.memory_space<vmem>>, vector<16xf32>,
      tpu.vector_store %arg15[%parallel_loop3A_381], %parallel_loop3A_375#0 {strides = array<i32>} : memref<512xf32, #tpu.memory_space<vmem>>, vector<16xf32>,
      %parallel_loop3A_383 = arith.constant 16 : i32
      %parallel_loop3A_384 = arith.muli %parallel_loop3A_368, %parallel_loop3A_383 : i32
      %parallel_loop3A_385 = arith.constant 256 : i32
      %parallel_loop3A_386 = arith.addi %parallel_loop3A_385, %parallel_loop3A_384 : i32
      %parallel_loop3A_387 = arith.index_cast %parallel_loop3A_386 : i32 to index
      %parallel_loop3A_388 = tpu.vector_load %arg16[%parallel_loop3A_387] {strides = array<i32>} : memref<512xf32, #tpu.memory_space<vmem>>, vector<16xf32>,
      tpu.vector_store %arg16[%parallel_loop3A_387], %parallel_loop3A_375#1 {strides = array<i32>} : memref<512xf32, #tpu.memory_space<vmem>>, vector<16xf32>,
    } {sc.loop_unroll_factor = 1 : i64, sc.parallel_access}
    %add3A_259 = arith.constant 256 : i32
    %add3A_260 = arith.addi %mul3A_2, %add3A_259 : i32
    %dma_start3A_261 = arith.constant 256 : i32
    %dma_start3A_262 = tpu.memref_slice %arg15[%dma_start3A_261] : memref<512xf32, #tpu.memory_space<vmem>> -> memref<128xf32, #tpu.memory_space<vmem>>
    %dma_start3A_263 = tpu.memref_slice %arg7[%add3A_260] : memref<16384xf32, #tpu.memory_space<hbm>> -> memref<128xf32, #tpu.memory_space<hbm>>
    %dma_start3A_264 = tpu.memref_slice %arg7[%add3A_260] : memref<16384xf32, #tpu.memory_space<hbm>> -> memref<128xf32, #tpu.memory_space<hbm>>
    %dma_start3A_265 = arith.constant 256 : i32
    %dma_start3A_266 = tpu.memref_slice %arg15[%dma_start3A_265] : memref<512xf32, #tpu.memory_space<vmem>> -> memref<128xf32, #tpu.memory_space<vmem>>
    tpu.enqueue_dma source(%dma_start3A_266 : memref<128xf32, #tpu.memory_space<vmem>>) target(%dma_start3A_264 : memref<128xf32, #tpu.memory_space<hbm>>) target_semaphore(%arg19 : memref<!tpu.dma_semaphore, #tpu.memory_space<semaphore_mem>>)
    %dma_start3A_267 = arith.constant 256 : i32
    %dma_start3A_268 = tpu.memref_slice %arg16[%dma_start3A_267] : memref<512xf32, #tpu.memory_space<vmem>> -> memref<128xf32, #tpu.memory_space<vmem>>
    %dma_start3A_269 = tpu.memref_slice %arg8[%add3A_260] : memref<16384xf32, #tpu.memory_space<hbm>> -> memref<128xf32, #tpu.memory_space<hbm>>
    %dma_start3A_270 = tpu.memref_slice %arg8[%add3A_260] : memref<16384xf32, #tpu.memory_space<hbm>> -> memref<128xf32, #tpu.memory_space<hbm>>
    %dma_start3A_271 = arith.constant 256 : i32
    %dma_start3A_272 = tpu.memref_slice %arg16[%dma_start3A_271] : memref<512xf32, #tpu.memory_space<vmem>> -> memref<128xf32, #tpu.memory_space<vmem>>
    tpu.enqueue_dma source(%dma_start3A_272 : memref<128xf32, #tpu.memory_space<vmem>>) target(%dma_start3A_270 : memref<128xf32, #tpu.memory_space<hbm>>) target_semaphore(%arg19 : memref<!tpu.dma_semaphore, #tpu.memory_space<semaphore_mem>>)
    %dma_wait3A_273 = arith.constant 1 : i32
    %dma_wait3A_274 = arith.constant 0 : i32
    %dma_wait3A_275 = arith.constant 0 : i32
    %dma_wait3A_276 = tpu.memref_slice %arg12[%dma_wait3A_273, %dma_wait3A_274, %dma_wait3A_275] : memref<2x128x128xf32, #tpu.memory_space<vmem>> -> memref<1x128x128xf32, #tpu.memory_space<vmem>>
    %dma_wait3A_277 = tpu.memref_squeeze %dma_wait3A_276 : memref<1x128x128xf32, #tpu.memory_space<vmem>> -> memref<128x128xf32, #tpu.memory_space<vmem>>
    %dma_wait3A_278 = arith.constant 384 : i32
    %dma_wait3A_279 = tpu.memref_slice %arg9[%dma_wait3A_278] : memref<512xi32, #tpu.memory_space<vmem>> -> memref<128xi32, #tpu.memory_space<vmem>>
    %dma_wait3A_280 = arith.constant 0 : i32
    %dma_wait3A_281 = arith.constant 0 : i32
    %dma_wait3A_282 = tpu.memref_slice %arg5[%dma_wait3A_280, %dma_wait3A_281] : memref<100000x128xf32, #tpu.memory_space<hbm>> -> memref<100000x128xf32, #tpu.memory_space<hbm>>
    tpu.wait_indirect_dma semaphore(%arg18 : memref<!tpu.dma_semaphore, #tpu.memory_space<semaphore_mem>>) src(%dma_wait3A_282 : memref<100000x128xf32, #tpu.memory_space<hbm>>) dst(%dma_wait3A_277 : memref<128x128xf32, #tpu.memory_space<vmem>>)
    %dma_wait3A_283 = arith.constant 1 : i32
    %dma_wait3A_284 = arith.constant 0 : i32
    %dma_wait3A_285 = arith.constant 0 : i32
    %dma_wait3A_286 = tpu.memref_slice %arg13[%dma_wait3A_283, %dma_wait3A_284, %dma_wait3A_285] : memref<2x128x128xf32, #tpu.memory_space<vmem>> -> memref<1x128x128xf32, #tpu.memory_space<vmem>>
    %dma_wait3A_287 = tpu.memref_squeeze %dma_wait3A_286 : memref<1x128x128xf32, #tpu.memory_space<vmem>> -> memref<128x128xf32, #tpu.memory_space<vmem>>
    %dma_wait3A_288 = arith.constant 384 : i32
    %dma_wait3A_289 = tpu.memref_slice %arg10[%dma_wait3A_288] : memref<512xi32, #tpu.memory_space<vmem>> -> memref<128xi32, #tpu.memory_space<vmem>>
    %dma_wait3A_290 = arith.constant 0 : i32
    %dma_wait3A_291 = arith.constant 0 : i32
    %dma_wait3A_292 = tpu.memref_slice %arg6[%dma_wait3A_290, %dma_wait3A_291] : memref<100000x128xf32, #tpu.memory_space<hbm>> -> memref<100000x128xf32, #tpu.memory_space<hbm>>
    tpu.wait_indirect_dma semaphore(%arg18 : memref<!tpu.dma_semaphore, #tpu.memory_space<semaphore_mem>>) src(%dma_wait3A_292 : memref<100000x128xf32, #tpu.memory_space<hbm>>) dst(%dma_wait3A_287 : memref<128x128xf32, #tpu.memory_space<vmem>>)
    %dma_wait3A_293 = arith.constant 1 : i32
    %dma_wait3A_294 = arith.constant 0 : i32
    %dma_wait3A_295 = arith.constant 0 : i32
    %dma_wait3A_296 = tpu.memref_slice %arg14[%dma_wait3A_293, %dma_wait3A_294, %dma_wait3A_295] : memref<2x128x128xf32, #tpu.memory_space<vmem>> -> memref<1x128x128xf32, #tpu.memory_space<vmem>>
    %dma_wait3A_297 = tpu.memref_squeeze %dma_wait3A_296 : memref<1x128x128xf32, #tpu.memory_space<vmem>> -> memref<128x128xf32, #tpu.memory_space<vmem>>
    %dma_wait3A_298 = arith.constant 384 : i32
    %dma_wait3A_299 = tpu.memref_slice %arg11[%dma_wait3A_298] : memref<512xi32, #tpu.memory_space<vmem>> -> memref<128xi32, #tpu.memory_space<vmem>>
    %dma_wait3A_300 = arith.constant 0 : i32
    %dma_wait3A_301 = arith.constant 0 : i32
    %dma_wait3A_302 = tpu.memref_slice %arg6[%dma_wait3A_300, %dma_wait3A_301] : memref<100000x128xf32, #tpu.memory_space<hbm>> -> memref<100000x128xf32, #tpu.memory_space<hbm>>
    tpu.wait_indirect_dma semaphore(%arg18 : memref<!tpu.dma_semaphore, #tpu.memory_space<semaphore_mem>>) src(%dma_wait3A_302 : memref<100000x128xf32, #tpu.memory_space<hbm>>) dst(%dma_wait3A_297 : memref<128x128xf32, #tpu.memory_space<vmem>>)
    %parallel_loop3A_303 = arith.constant 0 : i32
    %parallel_loop3A_304 = arith.constant 8 : i32
    %parallel_loop3A_305 = arith.constant 1 : i32
    scf.for %parallel_loop3A_368 = %parallel_loop3A_303 to %parallel_loop3A_304 step %parallel_loop3A_305  : i32 {
      %parallel_loop3A_369 = arith.constant 0.000000e+00 : f32
      %parallel_loop3A_370 = vector.broadcast %parallel_loop3A_369 : f32 to vector<16xf32>
      %parallel_loop3A_371 = arith.constant 0 : i32
      %parallel_loop3A_372 = arith.constant 16 : i32
      %parallel_loop3A_373 = arith.addi %parallel_loop3A_371, %parallel_loop3A_372 : i32
      %parallel_loop3A_374 = arith.constant 1 : i32
      %parallel_loop3A_375:2 = scf.for %scan3A = %parallel_loop3A_371 to %parallel_loop3A_373 step %parallel_loop3A_374 iter_args(%scan3A_389 = %parallel_loop3A_370, %scan3A_390 = %parallel_loop3A_370) -> (vector<16xf32>, vector<16xf32>)  : i32 {
        %parallel_loop3A_391 = arith.constant 16 : i32
        %parallel_loop3A_392 = arith.muli %parallel_loop3A_368, %parallel_loop3A_391 : i32
        %parallel_loop3A_393 = arith.addi %parallel_loop3A_392, %scan3A : i32
        %parallel_loop3A_394 = arith.constant 1 : i32
        %parallel_loop3A_395 = arith.index_cast %parallel_loop3A_394 : i32 to index
        %parallel_loop3A_396 = arith.index_cast %parallel_loop3A_393 : i32 to index
        %parallel_loop3A_397 = arith.constant 0 : index
        %parallel_loop3A_398 = tpu.vector_load %arg12[%parallel_loop3A_395, %parallel_loop3A_396, %parallel_loop3A_397] {strides = array<i32>} : memref<2x128x128xf32, #tpu.memory_space<vmem>>, vector<16xf32>,
        %parallel_loop3A_399 = arith.constant 1 : i32
        %parallel_loop3A_400 = arith.index_cast %parallel_loop3A_399 : i32 to index
        %parallel_loop3A_401 = arith.index_cast %parallel_loop3A_393 : i32 to index
        %parallel_loop3A_402 = arith.constant 0 : index
        %parallel_loop3A_403 = tpu.vector_load %arg13[%parallel_loop3A_400, %parallel_loop3A_401, %parallel_loop3A_402] {strides = array<i32>} : memref<2x128x128xf32, #tpu.memory_space<vmem>>, vector<16xf32>,
        %parallel_loop3A_404 = arith.mulf %parallel_loop3A_398, %parallel_loop3A_403 : vector<16xf32>
        %parallel_loop3A_405 = arith.constant 1 : i32
        %parallel_loop3A_406 = arith.index_cast %parallel_loop3A_405 : i32 to index
        %parallel_loop3A_407 = arith.index_cast %parallel_loop3A_393 : i32 to index
        %parallel_loop3A_408 = arith.constant 0 : index
        %parallel_loop3A_409 = tpu.vector_load %arg14[%parallel_loop3A_406, %parallel_loop3A_407, %parallel_loop3A_408] {strides = array<i32>} : memref<2x128x128xf32, #tpu.memory_space<vmem>>, vector<16xf32>,
        %parallel_loop3A_410 = arith.mulf %parallel_loop3A_398, %parallel_loop3A_409 : vector<16xf32>
        %parallel_loop3A_411 = arith.constant 1 : i32
        %parallel_loop3A_412 = arith.index_cast %parallel_loop3A_411 : i32 to index
        %parallel_loop3A_413 = arith.index_cast %parallel_loop3A_393 : i32 to index
        %parallel_loop3A_414 = arith.constant 16 : index
        %parallel_loop3A_415 = tpu.vector_load %arg12[%parallel_loop3A_412, %parallel_loop3A_413, %parallel_loop3A_414] {strides = array<i32>} : memref<2x128x128xf32, #tpu.memory_space<vmem>>, vector<16xf32>,
        %parallel_loop3A_416 = arith.constant 1 : i32
        %parallel_loop3A_417 = arith.index_cast %parallel_loop3A_416 : i32 to index
        %parallel_loop3A_418 = arith.index_cast %parallel_loop3A_393 : i32 to index
        %parallel_loop3A_419 = arith.constant 16 : index
        %parallel_loop3A_420 = tpu.vector_load %arg13[%parallel_loop3A_417, %parallel_loop3A_418, %parallel_loop3A_419] {strides = array<i32>} : memref<2x128x128xf32, #tpu.memory_space<vmem>>, vector<16xf32>,
        %parallel_loop3A_421 = arith.mulf %parallel_loop3A_415, %parallel_loop3A_420 : vector<16xf32>
        %parallel_loop3A_422 = arith.addf %parallel_loop3A_404, %parallel_loop3A_421 : vector<16xf32>
        %parallel_loop3A_423 = arith.constant 1 : i32
        %parallel_loop3A_424 = arith.index_cast %parallel_loop3A_423 : i32 to index
        %parallel_loop3A_425 = arith.index_cast %parallel_loop3A_393 : i32 to index
        %parallel_loop3A_426 = arith.constant 16 : index
        %parallel_loop3A_427 = tpu.vector_load %arg14[%parallel_loop3A_424, %parallel_loop3A_425, %parallel_loop3A_426] {strides = array<i32>} : memref<2x128x128xf32, #tpu.memory_space<vmem>>, vector<16xf32>,
        %parallel_loop3A_428 = arith.mulf %parallel_loop3A_415, %parallel_loop3A_427 : vector<16xf32>
        %parallel_loop3A_429 = arith.addf %parallel_loop3A_410, %parallel_loop3A_428 : vector<16xf32>
        %parallel_loop3A_430 = arith.constant 1 : i32
        %parallel_loop3A_431 = arith.index_cast %parallel_loop3A_430 : i32 to index
        %parallel_loop3A_432 = arith.index_cast %parallel_loop3A_393 : i32 to index
        %parallel_loop3A_433 = arith.constant 32 : index
        %parallel_loop3A_434 = tpu.vector_load %arg12[%parallel_loop3A_431, %parallel_loop3A_432, %parallel_loop3A_433] {strides = array<i32>} : memref<2x128x128xf32, #tpu.memory_space<vmem>>, vector<16xf32>,
        %parallel_loop3A_435 = arith.constant 1 : i32
        %parallel_loop3A_436 = arith.index_cast %parallel_loop3A_435 : i32 to index
        %parallel_loop3A_437 = arith.index_cast %parallel_loop3A_393 : i32 to index
        %parallel_loop3A_438 = arith.constant 32 : index
        %parallel_loop3A_439 = tpu.vector_load %arg13[%parallel_loop3A_436, %parallel_loop3A_437, %parallel_loop3A_438] {strides = array<i32>} : memref<2x128x128xf32, #tpu.memory_space<vmem>>, vector<16xf32>,
        %parallel_loop3A_440 = arith.mulf %parallel_loop3A_434, %parallel_loop3A_439 : vector<16xf32>
        %parallel_loop3A_441 = arith.addf %parallel_loop3A_422, %parallel_loop3A_440 : vector<16xf32>
        %parallel_loop3A_442 = arith.constant 1 : i32
        %parallel_loop3A_443 = arith.index_cast %parallel_loop3A_442 : i32 to index
        %parallel_loop3A_444 = arith.index_cast %parallel_loop3A_393 : i32 to index
        %parallel_loop3A_445 = arith.constant 32 : index
        %parallel_loop3A_446 = tpu.vector_load %arg14[%parallel_loop3A_443, %parallel_loop3A_444, %parallel_loop3A_445] {strides = array<i32>} : memref<2x128x128xf32, #tpu.memory_space<vmem>>, vector<16xf32>,
        %parallel_loop3A_447 = arith.mulf %parallel_loop3A_434, %parallel_loop3A_446 : vector<16xf32>
        %parallel_loop3A_448 = arith.addf %parallel_loop3A_429, %parallel_loop3A_447 : vector<16xf32>
        %parallel_loop3A_449 = arith.constant 1 : i32
        %parallel_loop3A_450 = arith.index_cast %parallel_loop3A_449 : i32 to index
        %parallel_loop3A_451 = arith.index_cast %parallel_loop3A_393 : i32 to index
        %parallel_loop3A_452 = arith.constant 48 : index
        %parallel_loop3A_453 = tpu.vector_load %arg12[%parallel_loop3A_450, %parallel_loop3A_451, %parallel_loop3A_452] {strides = array<i32>} : memref<2x128x128xf32, #tpu.memory_space<vmem>>, vector<16xf32>,
        %parallel_loop3A_454 = arith.constant 1 : i32
        %parallel_loop3A_455 = arith.index_cast %parallel_loop3A_454 : i32 to index
        %parallel_loop3A_456 = arith.index_cast %parallel_loop3A_393 : i32 to index
        %parallel_loop3A_457 = arith.constant 48 : index
        %parallel_loop3A_458 = tpu.vector_load %arg13[%parallel_loop3A_455, %parallel_loop3A_456, %parallel_loop3A_457] {strides = array<i32>} : memref<2x128x128xf32, #tpu.memory_space<vmem>>, vector<16xf32>,
        %parallel_loop3A_459 = arith.mulf %parallel_loop3A_453, %parallel_loop3A_458 : vector<16xf32>
        %parallel_loop3A_460 = arith.addf %parallel_loop3A_441, %parallel_loop3A_459 : vector<16xf32>
        %parallel_loop3A_461 = arith.constant 1 : i32
        %parallel_loop3A_462 = arith.index_cast %parallel_loop3A_461 : i32 to index
        %parallel_loop3A_463 = arith.index_cast %parallel_loop3A_393 : i32 to index
        %parallel_loop3A_464 = arith.constant 48 : index
        %parallel_loop3A_465 = tpu.vector_load %arg14[%parallel_loop3A_462, %parallel_loop3A_463, %parallel_loop3A_464] {strides = array<i32>} : memref<2x128x128xf32, #tpu.memory_space<vmem>>, vector<16xf32>,
        %parallel_loop3A_466 = arith.mulf %parallel_loop3A_453, %parallel_loop3A_465 : vector<16xf32>
        %parallel_loop3A_467 = arith.addf %parallel_loop3A_448, %parallel_loop3A_466 : vector<16xf32>
        %parallel_loop3A_468 = arith.constant 1 : i32
        %parallel_loop3A_469 = arith.index_cast %parallel_loop3A_468 : i32 to index
        %parallel_loop3A_470 = arith.index_cast %parallel_loop3A_393 : i32 to index
        %parallel_loop3A_471 = arith.constant 64 : index
        %parallel_loop3A_472 = tpu.vector_load %arg12[%parallel_loop3A_469, %parallel_loop3A_470, %parallel_loop3A_471] {strides = array<i32>} : memref<2x128x128xf32, #tpu.memory_space<vmem>>, vector<16xf32>,
        %parallel_loop3A_473 = arith.constant 1 : i32
        %parallel_loop3A_474 = arith.index_cast %parallel_loop3A_473 : i32 to index
        %parallel_loop3A_475 = arith.index_cast %parallel_loop3A_393 : i32 to index
        %parallel_loop3A_476 = arith.constant 64 : index
        %parallel_loop3A_477 = tpu.vector_load %arg13[%parallel_loop3A_474, %parallel_loop3A_475, %parallel_loop3A_476] {strides = array<i32>} : memref<2x128x128xf32, #tpu.memory_space<vmem>>, vector<16xf32>,
        %parallel_loop3A_478 = arith.mulf %parallel_loop3A_472, %parallel_loop3A_477 : vector<16xf32>
        %parallel_loop3A_479 = arith.addf %parallel_loop3A_460, %parallel_loop3A_478 : vector<16xf32>
        %parallel_loop3A_480 = arith.constant 1 : i32
        %parallel_loop3A_481 = arith.index_cast %parallel_loop3A_480 : i32 to index
        %parallel_loop3A_482 = arith.index_cast %parallel_loop3A_393 : i32 to index
        %parallel_loop3A_483 = arith.constant 64 : index
        %parallel_loop3A_484 = tpu.vector_load %arg14[%parallel_loop3A_481, %parallel_loop3A_482, %parallel_loop3A_483] {strides = array<i32>} : memref<2x128x128xf32, #tpu.memory_space<vmem>>, vector<16xf32>,
        %parallel_loop3A_485 = arith.mulf %parallel_loop3A_472, %parallel_loop3A_484 : vector<16xf32>
        %parallel_loop3A_486 = arith.addf %parallel_loop3A_467, %parallel_loop3A_485 : vector<16xf32>
        %parallel_loop3A_487 = arith.constant 1 : i32
        %parallel_loop3A_488 = arith.index_cast %parallel_loop3A_487 : i32 to index
        %parallel_loop3A_489 = arith.index_cast %parallel_loop3A_393 : i32 to index
        %parallel_loop3A_490 = arith.constant 80 : index
        %parallel_loop3A_491 = tpu.vector_load %arg12[%parallel_loop3A_488, %parallel_loop3A_489, %parallel_loop3A_490] {strides = array<i32>} : memref<2x128x128xf32, #tpu.memory_space<vmem>>, vector<16xf32>,
        %parallel_loop3A_492 = arith.constant 1 : i32
        %parallel_loop3A_493 = arith.index_cast %parallel_loop3A_492 : i32 to index
        %parallel_loop3A_494 = arith.index_cast %parallel_loop3A_393 : i32 to index
        %parallel_loop3A_495 = arith.constant 80 : index
        %parallel_loop3A_496 = tpu.vector_load %arg13[%parallel_loop3A_493, %parallel_loop3A_494, %parallel_loop3A_495] {strides = array<i32>} : memref<2x128x128xf32, #tpu.memory_space<vmem>>, vector<16xf32>,
        %parallel_loop3A_497 = arith.mulf %parallel_loop3A_491, %parallel_loop3A_496 : vector<16xf32>
        %parallel_loop3A_498 = arith.addf %parallel_loop3A_479, %parallel_loop3A_497 : vector<16xf32>
        %parallel_loop3A_499 = arith.constant 1 : i32
        %parallel_loop3A_500 = arith.index_cast %parallel_loop3A_499 : i32 to index
        %parallel_loop3A_501 = arith.index_cast %parallel_loop3A_393 : i32 to index
        %parallel_loop3A_502 = arith.constant 80 : index
        %parallel_loop3A_503 = tpu.vector_load %arg14[%parallel_loop3A_500, %parallel_loop3A_501, %parallel_loop3A_502] {strides = array<i32>} : memref<2x128x128xf32, #tpu.memory_space<vmem>>, vector<16xf32>,
        %parallel_loop3A_504 = arith.mulf %parallel_loop3A_491, %parallel_loop3A_503 : vector<16xf32>
        %parallel_loop3A_505 = arith.addf %parallel_loop3A_486, %parallel_loop3A_504 : vector<16xf32>
        %parallel_loop3A_506 = arith.constant 1 : i32
        %parallel_loop3A_507 = arith.index_cast %parallel_loop3A_506 : i32 to index
        %parallel_loop3A_508 = arith.index_cast %parallel_loop3A_393 : i32 to index
        %parallel_loop3A_509 = arith.constant 96 : index
        %parallel_loop3A_510 = tpu.vector_load %arg12[%parallel_loop3A_507, %parallel_loop3A_508, %parallel_loop3A_509] {strides = array<i32>} : memref<2x128x128xf32, #tpu.memory_space<vmem>>, vector<16xf32>,
        %parallel_loop3A_511 = arith.constant 1 : i32
        %parallel_loop3A_512 = arith.index_cast %parallel_loop3A_511 : i32 to index
        %parallel_loop3A_513 = arith.index_cast %parallel_loop3A_393 : i32 to index
        %parallel_loop3A_514 = arith.constant 96 : index
        %parallel_loop3A_515 = tpu.vector_load %arg13[%parallel_loop3A_512, %parallel_loop3A_513, %parallel_loop3A_514] {strides = array<i32>} : memref<2x128x128xf32, #tpu.memory_space<vmem>>, vector<16xf32>,
        %parallel_loop3A_516 = arith.mulf %parallel_loop3A_510, %parallel_loop3A_515 : vector<16xf32>
        %parallel_loop3A_517 = arith.addf %parallel_loop3A_498, %parallel_loop3A_516 : vector<16xf32>
        %parallel_loop3A_518 = arith.constant 1 : i32
        %parallel_loop3A_519 = arith.index_cast %parallel_loop3A_518 : i32 to index
        %parallel_loop3A_520 = arith.index_cast %parallel_loop3A_393 : i32 to index
        %parallel_loop3A_521 = arith.constant 96 : index
        %parallel_loop3A_522 = tpu.vector_load %arg14[%parallel_loop3A_519, %parallel_loop3A_520, %parallel_loop3A_521] {strides = array<i32>} : memref<2x128x128xf32, #tpu.memory_space<vmem>>, vector<16xf32>,
        %parallel_loop3A_523 = arith.mulf %parallel_loop3A_510, %parallel_loop3A_522 : vector<16xf32>
        %parallel_loop3A_524 = arith.addf %parallel_loop3A_505, %parallel_loop3A_523 : vector<16xf32>
        %parallel_loop3A_525 = arith.constant 1 : i32
        %parallel_loop3A_526 = arith.index_cast %parallel_loop3A_525 : i32 to index
        %parallel_loop3A_527 = arith.index_cast %parallel_loop3A_393 : i32 to index
        %parallel_loop3A_528 = arith.constant 112 : index
        %parallel_loop3A_529 = tpu.vector_load %arg12[%parallel_loop3A_526, %parallel_loop3A_527, %parallel_loop3A_528] {strides = array<i32>} : memref<2x128x128xf32, #tpu.memory_space<vmem>>, vector<16xf32>,
        %parallel_loop3A_530 = arith.constant 1 : i32
        %parallel_loop3A_531 = arith.index_cast %parallel_loop3A_530 : i32 to index
        %parallel_loop3A_532 = arith.index_cast %parallel_loop3A_393 : i32 to index
        %parallel_loop3A_533 = arith.constant 112 : index
        %parallel_loop3A_534 = tpu.vector_load %arg13[%parallel_loop3A_531, %parallel_loop3A_532, %parallel_loop3A_533] {strides = array<i32>} : memref<2x128x128xf32, #tpu.memory_space<vmem>>, vector<16xf32>,
        %parallel_loop3A_535 = arith.mulf %parallel_loop3A_529, %parallel_loop3A_534 : vector<16xf32>
        %parallel_loop3A_536 = arith.addf %parallel_loop3A_517, %parallel_loop3A_535 : vector<16xf32>
        %parallel_loop3A_537 = arith.constant 1 : i32
        %parallel_loop3A_538 = arith.index_cast %parallel_loop3A_537 : i32 to index
        %parallel_loop3A_539 = arith.index_cast %parallel_loop3A_393 : i32 to index
        %parallel_loop3A_540 = arith.constant 112 : index
        %parallel_loop3A_541 = tpu.vector_load %arg14[%parallel_loop3A_538, %parallel_loop3A_539, %parallel_loop3A_540] {strides = array<i32>} : memref<2x128x128xf32, #tpu.memory_space<vmem>>, vector<16xf32>,
        %parallel_loop3A_542 = arith.mulf %parallel_loop3A_529, %parallel_loop3A_541 : vector<16xf32>
        %parallel_loop3A_543 = arith.addf %parallel_loop3A_524, %parallel_loop3A_542 : vector<16xf32>
        %parallel_loop3A_544 = vector.broadcast %scan3A : i32 to vector<16xi32>
        %parallel_loop3A_545 = arith.cmpi eq, %iota3A, %parallel_loop3A_544 : vector<16xi32>
        %parallel_loop3A_546 = arith.constant true
        %parallel_loop3A_547 = vector.broadcast %parallel_loop3A_546 : i1 to vector<16xi1>
        %parallel_loop3A_548 = tpu.scan <sum>, %parallel_loop3A_536 masked %parallel_loop3A_547 : vector<16xf32>, vector<16xi1> -> vector<16xf32>
        %parallel_loop3A_549 = vector.extract %parallel_loop3A_548[15] : f32 from vector<16xf32>
        %parallel_loop3A_550 = vector.broadcast %parallel_loop3A_549 : f32 to vector<16xf32>
        %parallel_loop3A_551 = arith.select %parallel_loop3A_545, %parallel_loop3A_550, %scan3A_389 : vector<16xi1>, vector<16xf32>
        %parallel_loop3A_552 = vector.broadcast %scan3A : i32 to vector<16xi32>
        %parallel_loop3A_553 = arith.cmpi eq, %iota3A, %parallel_loop3A_552 : vector<16xi32>
        %parallel_loop3A_554 = arith.constant true
        %parallel_loop3A_555 = vector.broadcast %parallel_loop3A_554 : i1 to vector<16xi1>
        %parallel_loop3A_556 = tpu.scan <sum>, %parallel_loop3A_543 masked %parallel_loop3A_555 : vector<16xf32>, vector<16xi1> -> vector<16xf32>
        %parallel_loop3A_557 = vector.extract %parallel_loop3A_556[15] : f32 from vector<16xf32>
        %parallel_loop3A_558 = vector.broadcast %parallel_loop3A_557 : f32 to vector<16xf32>
        %parallel_loop3A_559 = arith.select %parallel_loop3A_553, %parallel_loop3A_558, %scan3A_390 : vector<16xi1>, vector<16xf32>
        scf.yield %parallel_loop3A_551, %parallel_loop3A_559 : vector<16xf32>, vector<16xf32>
      }
      %parallel_loop3A_376 = arith.constant 16 : i32
      %parallel_loop3A_377 = arith.constant 16 : i32
      %parallel_loop3A_378 = arith.muli %parallel_loop3A_368, %parallel_loop3A_377 : i32
      %parallel_loop3A_379 = arith.constant 384 : i32
      %parallel_loop3A_380 = arith.addi %parallel_loop3A_379, %parallel_loop3A_378 : i32
      %parallel_loop3A_381 = arith.index_cast %parallel_loop3A_380 : i32 to index
      %parallel_loop3A_382 = tpu.vector_load %arg15[%parallel_loop3A_381] {strides = array<i32>} : memref<512xf32, #tpu.memory_space<vmem>>, vector<16xf32>,
      tpu.vector_store %arg15[%parallel_loop3A_381], %parallel_loop3A_375#0 {strides = array<i32>} : memref<512xf32, #tpu.memory_space<vmem>>, vector<16xf32>,
      %parallel_loop3A_383 = arith.constant 16 : i32
      %parallel_loop3A_384 = arith.muli %parallel_loop3A_368, %parallel_loop3A_383 : i32
      %parallel_loop3A_385 = arith.constant 384 : i32
      %parallel_loop3A_386 = arith.addi %parallel_loop3A_385, %parallel_loop3A_384 : i32
      %parallel_loop3A_387 = arith.index_cast %parallel_loop3A_386 : i32 to index
      %parallel_loop3A_388 = tpu.vector_load %arg16[%parallel_loop3A_387] {strides = array<i32>} : memref<512xf32, #tpu.memory_space<vmem>>, vector<16xf32>,
      tpu.vector_store %arg16[%parallel_loop3A_387], %parallel_loop3A_375#1 {strides = array<i32>} : memref<512xf32, #tpu.memory_space<vmem>>, vector<16xf32>,
    } {sc.loop_unroll_factor = 1 : i64, sc.parallel_access}
    %add3A_306 = arith.constant 384 : i32
    %add3A_307 = arith.addi %mul3A_2, %add3A_306 : i32
    %dma_start3A_308 = arith.constant 384 : i32
    %dma_start3A_309 = tpu.memref_slice %arg15[%dma_start3A_308] : memref<512xf32, #tpu.memory_space<vmem>> -> memref<128xf32, #tpu.memory_space<vmem>>
    %dma_start3A_310 = tpu.memref_slice %arg7[%add3A_307] : memref<16384xf32, #tpu.memory_space<hbm>> -> memref<128xf32, #tpu.memory_space<hbm>>
    %dma_start3A_311 = tpu.memref_slice %arg7[%add3A_307] : memref<16384xf32, #tpu.memory_space<hbm>> -> memref<128xf32, #tpu.memory_space<hbm>>
    %dma_start3A_312 = arith.constant 384 : i32
    %dma_start3A_313 = tpu.memref_slice %arg15[%dma_start3A_312] : memref<512xf32, #tpu.memory_space<vmem>> -> memref<128xf32, #tpu.memory_space<vmem>>
    tpu.enqueue_dma source(%dma_start3A_313 : memref<128xf32, #tpu.memory_space<vmem>>) target(%dma_start3A_311 : memref<128xf32, #tpu.memory_space<hbm>>) target_semaphore(%arg19 : memref<!tpu.dma_semaphore, #tpu.memory_space<semaphore_mem>>)
    %dma_start3A_314 = arith.constant 384 : i32
    %dma_start3A_315 = tpu.memref_slice %arg16[%dma_start3A_314] : memref<512xf32, #tpu.memory_space<vmem>> -> memref<128xf32, #tpu.memory_space<vmem>>
    %dma_start3A_316 = tpu.memref_slice %arg8[%add3A_307] : memref<16384xf32, #tpu.memory_space<hbm>> -> memref<128xf32, #tpu.memory_space<hbm>>
    %dma_start3A_317 = tpu.memref_slice %arg8[%add3A_307] : memref<16384xf32, #tpu.memory_space<hbm>> -> memref<128xf32, #tpu.memory_space<hbm>>
    %dma_start3A_318 = arith.constant 384 : i32
    %dma_start3A_319 = tpu.memref_slice %arg16[%dma_start3A_318] : memref<512xf32, #tpu.memory_space<vmem>> -> memref<128xf32, #tpu.memory_space<vmem>>
    tpu.enqueue_dma source(%dma_start3A_319 : memref<128xf32, #tpu.memory_space<vmem>>) target(%dma_start3A_317 : memref<128xf32, #tpu.memory_space<hbm>>) target_semaphore(%arg19 : memref<!tpu.dma_semaphore, #tpu.memory_space<semaphore_mem>>)
    %dma_wait3A_320 = arith.constant 0 : i32
    %dma_wait3A_321 = tpu.memref_slice %arg15[%dma_wait3A_320] : memref<512xf32, #tpu.memory_space<vmem>> -> memref<128xf32, #tpu.memory_space<vmem>>
    %dma_wait3A_322 = tpu.memref_slice %arg7[%add3A_106] : memref<16384xf32, #tpu.memory_space<hbm>> -> memref<128xf32, #tpu.memory_space<hbm>>
    %dma_wait3A_323 = tpu.memref_slice %arg7[%add3A_106] : memref<16384xf32, #tpu.memory_space<hbm>> -> memref<128xf32, #tpu.memory_space<hbm>>
    %dma_wait3A_324 = arith.constant 0 : i32
    %dma_wait3A_325 = tpu.memref_slice %arg15[%dma_wait3A_324] : memref<512xf32, #tpu.memory_space<vmem>> -> memref<128xf32, #tpu.memory_space<vmem>>
    tpu.wait_dma2 semaphore(%arg19 : memref<!tpu.dma_semaphore, #tpu.memory_space<semaphore_mem>>) src(%dma_wait3A_325 : memref<128xf32, #tpu.memory_space<vmem>>) dst(%dma_wait3A_323 : memref<128xf32, #tpu.memory_space<hbm>>)
    %dma_wait3A_326 = arith.constant 0 : i32
    %dma_wait3A_327 = tpu.memref_slice %arg16[%dma_wait3A_326] : memref<512xf32, #tpu.memory_space<vmem>> -> memref<128xf32, #tpu.memory_space<vmem>>
    %dma_wait3A_328 = tpu.memref_slice %arg8[%add3A_106] : memref<16384xf32, #tpu.memory_space<hbm>> -> memref<128xf32, #tpu.memory_space<hbm>>
    %dma_wait3A_329 = tpu.memref_slice %arg8[%add3A_106] : memref<16384xf32, #tpu.memory_space<hbm>> -> memref<128xf32, #tpu.memory_space<hbm>>
    %dma_wait3A_330 = arith.constant 0 : i32
    %dma_wait3A_331 = tpu.memref_slice %arg16[%dma_wait3A_330] : memref<512xf32, #tpu.memory_space<vmem>> -> memref<128xf32, #tpu.memory_space<vmem>>
    tpu.wait_dma2 semaphore(%arg19 : memref<!tpu.dma_semaphore, #tpu.memory_space<semaphore_mem>>) src(%dma_wait3A_331 : memref<128xf32, #tpu.memory_space<vmem>>) dst(%dma_wait3A_329 : memref<128xf32, #tpu.memory_space<hbm>>)
    %dma_wait3A_332 = arith.constant 128 : i32
    %dma_wait3A_333 = tpu.memref_slice %arg15[%dma_wait3A_332] : memref<512xf32, #tpu.memory_space<vmem>> -> memref<128xf32, #tpu.memory_space<vmem>>
    %dma_wait3A_334 = tpu.memref_slice %arg7[%add3A_183] : memref<16384xf32, #tpu.memory_space<hbm>> -> memref<128xf32, #tpu.memory_space<hbm>>
    %dma_wait3A_335 = tpu.memref_slice %arg7[%add3A_183] : memref<16384xf32, #tpu.memory_space<hbm>> -> memref<128xf32, #tpu.memory_space<hbm>>
    %dma_wait3A_336 = arith.constant 128 : i32
    %dma_wait3A_337 = tpu.memref_slice %arg15[%dma_wait3A_336] : memref<512xf32, #tpu.memory_space<vmem>> -> memref<128xf32, #tpu.memory_space<vmem>>
    tpu.wait_dma2 semaphore(%arg19 : memref<!tpu.dma_semaphore, #tpu.memory_space<semaphore_mem>>) src(%dma_wait3A_337 : memref<128xf32, #tpu.memory_space<vmem>>) dst(%dma_wait3A_335 : memref<128xf32, #tpu.memory_space<hbm>>)
    %dma_wait3A_338 = arith.constant 128 : i32
    %dma_wait3A_339 = tpu.memref_slice %arg16[%dma_wait3A_338] : memref<512xf32, #tpu.memory_space<vmem>> -> memref<128xf32, #tpu.memory_space<vmem>>
    %dma_wait3A_340 = tpu.memref_slice %arg8[%add3A_183] : memref<16384xf32, #tpu.memory_space<hbm>> -> memref<128xf32, #tpu.memory_space<hbm>>
    %dma_wait3A_341 = tpu.memref_slice %arg8[%add3A_183] : memref<16384xf32, #tpu.memory_space<hbm>> -> memref<128xf32, #tpu.memory_space<hbm>>
    %dma_wait3A_342 = arith.constant 128 : i32
    %dma_wait3A_343 = tpu.memref_slice %arg16[%dma_wait3A_342] : memref<512xf32, #tpu.memory_space<vmem>> -> memref<128xf32, #tpu.memory_space<vmem>>
    tpu.wait_dma2 semaphore(%arg19 : memref<!tpu.dma_semaphore, #tpu.memory_space<semaphore_mem>>) src(%dma_wait3A_343 : memref<128xf32, #tpu.memory_space<vmem>>) dst(%dma_wait3A_341 : memref<128xf32, #tpu.memory_space<hbm>>)
    %dma_wait3A_344 = arith.constant 256 : i32
    %dma_wait3A_345 = tpu.memref_slice %arg15[%dma_wait3A_344] : memref<512xf32, #tpu.memory_space<vmem>> -> memref<128xf32, #tpu.memory_space<vmem>>
    %dma_wait3A_346 = tpu.memref_slice %arg7[%add3A_260] : memref<16384xf32, #tpu.memory_space<hbm>> -> memref<128xf32, #tpu.memory_space<hbm>>
    %dma_wait3A_347 = tpu.memref_slice %arg7[%add3A_260] : memref<16384xf32, #tpu.memory_space<hbm>> -> memref<128xf32, #tpu.memory_space<hbm>>
    %dma_wait3A_348 = arith.constant 256 : i32
    %dma_wait3A_349 = tpu.memref_slice %arg15[%dma_wait3A_348] : memref<512xf32, #tpu.memory_space<vmem>> -> memref<128xf32, #tpu.memory_space<vmem>>
    tpu.wait_dma2 semaphore(%arg19 : memref<!tpu.dma_semaphore, #tpu.memory_space<semaphore_mem>>) src(%dma_wait3A_349 : memref<128xf32, #tpu.memory_space<vmem>>) dst(%dma_wait3A_347 : memref<128xf32, #tpu.memory_space<hbm>>)
    %dma_wait3A_350 = arith.constant 256 : i32
    %dma_wait3A_351 = tpu.memref_slice %arg16[%dma_wait3A_350] : memref<512xf32, #tpu.memory_space<vmem>> -> memref<128xf32, #tpu.memory_space<vmem>>
    %dma_wait3A_352 = tpu.memref_slice %arg8[%add3A_260] : memref<16384xf32, #tpu.memory_space<hbm>> -> memref<128xf32, #tpu.memory_space<hbm>>
    %dma_wait3A_353 = tpu.memref_slice %arg8[%add3A_260] : memref<16384xf32, #tpu.memory_space<hbm>> -> memref<128xf32, #tpu.memory_space<hbm>>
    %dma_wait3A_354 = arith.constant 256 : i32
    %dma_wait3A_355 = tpu.memref_slice %arg16[%dma_wait3A_354] : memref<512xf32, #tpu.memory_space<vmem>> -> memref<128xf32, #tpu.memory_space<vmem>>
    tpu.wait_dma2 semaphore(%arg19 : memref<!tpu.dma_semaphore, #tpu.memory_space<semaphore_mem>>) src(%dma_wait3A_355 : memref<128xf32, #tpu.memory_space<vmem>>) dst(%dma_wait3A_353 : memref<128xf32, #tpu.memory_space<hbm>>)
    %dma_wait3A_356 = arith.constant 384 : i32
    %dma_wait3A_357 = tpu.memref_slice %arg15[%dma_wait3A_356] : memref<512xf32, #tpu.memory_space<vmem>> -> memref<128xf32, #tpu.memory_space<vmem>>
    %dma_wait3A_358 = tpu.memref_slice %arg7[%add3A_307] : memref<16384xf32, #tpu.memory_space<hbm>> -> memref<128xf32, #tpu.memory_space<hbm>>
    %dma_wait3A_359 = tpu.memref_slice %arg7[%add3A_307] : memref<16384xf32, #tpu.memory_space<hbm>> -> memref<128xf32, #tpu.memory_space<hbm>>
    %dma_wait3A_360 = arith.constant 384 : i32
    %dma_wait3A_361 = tpu.memref_slice %arg15[%dma_wait3A_360] : memref<512xf32, #tpu.memory_space<vmem>> -> memref<128xf32, #tpu.memory_space<vmem>>
    tpu.wait_dma2 semaphore(%arg19 : memref<!tpu.dma_semaphore, #tpu.memory_space<semaphore_mem>>) src(%dma_wait3A_361 : memref<128xf32, #tpu.memory_space<vmem>>) dst(%dma_wait3A_359 : memref<128xf32, #tpu.memory_space<hbm>>)
    %dma_wait3A_362 = arith.constant 384 : i32
    %dma_wait3A_363 = tpu.memref_slice %arg16[%dma_wait3A_362] : memref<512xf32, #tpu.memory_space<vmem>> -> memref<128xf32, #tpu.memory_space<vmem>>
    %dma_wait3A_364 = tpu.memref_slice %arg8[%add3A_307] : memref<16384xf32, #tpu.memory_space<hbm>> -> memref<128xf32, #tpu.memory_space<hbm>>
    %dma_wait3A_365 = tpu.memref_slice %arg8[%add3A_307] : memref<16384xf32, #tpu.memory_space<hbm>> -> memref<128xf32, #tpu.memory_space<hbm>>
    %dma_wait3A_366 = arith.constant 384 : i32
    %dma_wait3A_367 = tpu.memref_slice %arg16[%dma_wait3A_366] : memref<512xf32, #tpu.memory_space<vmem>> -> memref<128xf32, #tpu.memory_space<vmem>>
    tpu.wait_dma2 semaphore(%arg19 : memref<!tpu.dma_semaphore, #tpu.memory_space<semaphore_mem>>) src(%dma_wait3A_367 : memref<128xf32, #tpu.memory_space<vmem>>) dst(%dma_wait3A_365 : memref<128xf32, #tpu.memory_space<hbm>>)
    return
  }
}

</mosaic_0001>

<sc_bundles>
// kernel: kernel.3.cloned.1.call-start
scs
__scs_entry_jumppad:
0x0: {  	(pc) =	sbr.rel $0x88, $3  }
0x1: {  	(tag) =	ssettag $0x0;
	lr =	simm.s32 $0x1  }
0x2: {  	[smem:$0x3F9C] =	sst lr;
	_ =	strace $0xD0000000  }
0x3: {  	_ = 	snop  }
0x4: {  	_ = 	snop  }
0x5: {  	_ = 	snop  }
0x6: {  	_ = 	snop  }
0x7: {  	_ = 	snop  }
__scs_overlays_trampoline_lowered:
0x8: {  	[smem:$0x3FAB] =	sst s0  }
0x9: {  	[smem:$0x3FAC] =	sst s1  }
0xa: {  	[smem:$0x3FAD] =	sst s2  }
0xb: {  	[smem:$0x3FAE] =	sst s3  }
0xc: {  	[smem:$0x3FAF] =	sst s4  }
0xd: {  	[smem:$0x3FB0] =	sst s5  }
0xe: {  	[smem:$0x3FB1] =	sst s6  }
0xf: {  	[smem:$0x3FB2] =	sst s7  }
0x10: {  	[smem:$0x3FB3] =	sst s8  }
0x11: {  	[smem:$0x3FB4] =	sst s9;
	s0 =	simm.s32 @!p0 $0x0  }
0x12: {  	s1 =	sld [smem:$0x3F9A];
	s0 =	simm.s32 @p0 $0x1  }
0x13: {  	[smem:$0x3FB5] =	sst s0;
	s0 =	simm.s32 @!p1 $0x0  }
0x14: {  	s2 =	sld [smem:$0x3F99];
	s0 =	simm.s32 @p1 $0x1  }
0x15: {  	[smem:$0x3FB6] =	sst s0;
	s0 =	simm.s32 @!p2 $0x0  }
0x16: {  	s3 =	sld [smem:$0x3FDB];
	s0 =	simm.s32 @p2 $0x1  }
0x17: {  	s4 =	simm.s32 $0x1BF5;
	[smem:$0x3FB8] =	sst s0  }
0x18: {  	s0 =	sld [smem:$0x3F9B];
	_ =	swait.ge [sflag:s4], $0x0  }
0x19: {  	s7 =	sld [smem:$0x3F9C]  }
0x1a: {  	s8 =	sadd.s32 $0xFFFFE003, lr  }
0x1b: {  	s9 =	sadd.s32 $0xFFFFFEF7, lr;
	s5 =	simm.s32 $0xFFFFFFFF;
	p2 =	slt.u32 s8, $0xFFFFF086  }
0x1c: {  	p1 =	slt.u32 s9, $0xF7A;
	s5 =	simm.s32 @!p2 $0x0  }
0x1d: {  	s5 =	simm.s32 @p1 $0x1;
	p0 =	seq.s32 s7, s2  }
0x1e: {  	s7 =	smul.u32 @!p0 $0xF7A, s2;
	p2 =	seq.s32 @!p0 s5, $0x0  }
0x1f: {  	s9 =	smul.u32 $0xF7A, s1;
	s8 =	simm.s32 @!p0 $0x1BF5;
	p2 =	por !p2, p0  }
0x20: {  	[sflag:s8] =	ssyncset.s32 @!p0 $0xFFFFF086;
	s6 =	sadd.s32 @!p0 s3, s7;
	s7 =	simm.s32 @!p0 $0x108  }
0x21: {  	s3 =	sadd.s32 s3, s9;
	s6 =	sadd.s32 @!p0 $0x88, s6;
	s7 =	simm.s32 @p2 $0x1082  }
0x22: {  	[simem:s7], [sflag:s8] =	dma.local @!p0 [hbm:s6], $0xF7A  }
0x23: {  	s9 =	sor.u32 $0xD0000000, s2;
	s6 =	simm.s32 $0x108;
	_ =	swait.ge @!p0 [sflag:s8], $0x0  }
0x24: {  	s3 =	sadd.s32 $0x88, s3;
	s6 =	simm.s32 @!p1 $0x1082;
	[sflag:s4] =	ssyncset.s32 $0xFFFFF086  }
0x25: {  	[simem:s6], [sflag:s4] =	dma.local [hbm:s3], $0xF7A  }
0x26: {  	[smem:$0x3F9C] =	sst s1;
	(tag) =	ssettag s2;
	_ =	strace s9  }
0x27: {  	s1 =	sld [smem:$0x3FAC]  }
0x28: {  	s2 =	sld [smem:$0x3FAD]  }
0x29: {  	s4 =	sld [smem:$0x3FAF]  }
0x2a: {  	p0 =	seq.s32 s5, $0x0;
	s5 =	sld [smem:$0x3FB0]  }
0x2b: {  	s6 =	sld [smem:$0x3FB1]  }
0x2c: {  	s7 =	sld [smem:$0x3FB2]  }
0x2d: {  	s3 =	simm.s32 $0x108;
	s8 =	sld [smem:$0x3FB3]  }
0x2e: {  	s3 =	simm.s32 @!p0 $0x1082;
	s9 =	sld [smem:$0x3FB4]  }
0x2f: {  	lr =	sadd.s32 s0, s3;
	s0 =	sld [smem:$0x3FAB]  }
0x30: {  	s3 =	sld [smem:$0x3FAE]  }
0x31: {  	[smem:$0x3FB7] =	sst s10  }
0x32: {  	s10 =	sld [smem:$0x3FB5];
	_ =	sdelay $0x3  }
0x33: {  	p0 =	seq.s32 s10, $0x1;
	s10 =	sld [smem:$0x3FB7];
	_ =	sdelay $0x3  }
0x34: {  	[smem:$0x3FB7] =	sst s10  }
0x35: {  	s10 =	sld [smem:$0x3FB6];
	_ =	sdelay $0x3  }
0x36: {  	p1 =	seq.s32 s10, $0x1;
	s10 =	sld [smem:$0x3FB7];
	_ =	sdelay $0x3  }
0x37: {  	[smem:$0x3FB7] =	sst s10  }
0x38: {  	s10 =	sld [smem:$0x3FB8]  }
0x39: {  	_ = 	snop;
	(pc) =	sbr.ind lr, $3  }
0x3a: {  	_ = 	snop  }
0x3b: {  	_ = 	snop  }
0x3c: {  	p2 =	seq.s32 s10, $0x1;
	s10 =	sld [smem:$0x3FB7]  }
0x3d: {  	_ =	shalt  }
0x3e: {  	_ =	shalt  }
0x3f: {  	_ =	shalt  }
0x40: {  	_ =	shalt  }
0x41: {  	_ =	shalt  }
0x42: {  	_ =	shalt  }
0x43: {  	_ =	shalt  }
0x44: {  	_ =	shalt  }
0x45: {  	_ =	shalt  }
0x46: {  	_ =	shalt  }
0x47: {  	_ =	shalt  }
0x48: {  	_ =	shalt  }
0x49: {  	_ =	shalt  }
0x4a: {  	_ =	shalt  }
0x4b: {  	_ =	shalt  }
0x4c: {  	_ =	shalt  }
0x4d: {  	_ =	shalt  }
0x4e: {  	_ =	shalt  }
0x4f: {  	_ =	shalt  }
0x50: {  	_ =	shalt  }
0x51: {  	_ =	shalt  }
0x52: {  	_ =	shalt  }
0x53: {  	_ =	shalt  }
0x54: {  	_ =	shalt  }
0x55: {  	_ =	shalt  }
0x56: {  	_ =	shalt  }
0x57: {  	_ =	shalt  }
0x58: {  	_ =	shalt  }
0x59: {  	_ =	shalt  }
0x5a: {  	_ =	shalt  }
0x5b: {  	_ =	shalt  }
0x5c: {  	_ =	shalt  }
0x5d: {  	_ =	shalt  }
0x5e: {  	_ =	shalt  }
0x5f: {  	_ =	shalt  }
0x60: {  	_ =	shalt  }
0x61: {  	_ =	shalt  }
0x62: {  	_ =	shalt  }
0x63: {  	_ =	shalt  }
0x64: {  	_ =	shalt  }
0x65: {  	_ =	shalt  }
0x66: {  	_ =	shalt  }
0x67: {  	_ =	shalt  }
0x68: {  	_ =	shalt  }
0x69: {  	_ =	shalt  }
0x6a: {  	_ =	shalt  }
0x6b: {  	_ =	shalt  }
0x6c: {  	_ =	shalt  }
0x6d: {  	_ =	shalt  }
0x6e: {  	_ =	shalt  }
0x6f: {  	_ =	shalt  }
0x70: {  	_ =	shalt  }
0x71: {  	_ =	shalt  }
0x72: {  	_ =	shalt  }
0x73: {  	_ =	shalt  }
0x74: {  	_ =	shalt  }
0x75: {  	_ =	shalt  }
0x76: {  	_ =	shalt  }
0x77: {  	_ =	shalt  }
0x78: {  	_ =	shalt  }
0x79: {  	_ =	shalt  }
0x7a: {  	_ =	shalt  }
0x7b: {  	_ =	shalt  }
0x7c: {  	_ =	shalt  }
0x7d: {  	_ =	shalt  }
0x7e: {  	_ =	shalt  }
0x7f: {  	_ =	shalt  }
0x80: {  	_ =	shalt  }
0x81: {  	_ =	shalt  }
0x82: {  	_ =	shalt  }
0x83: {  	_ =	shalt  }
0x84: {  	_ =	shalt  }
0x85: {  	_ =	shalt  }
0x86: {  	_ =	shalt  }
0x87: {  	_ =	shalt  }
.Lfunc_end0:
.L_simem_size_0:
called_computation_lowered:
.L_overlay_start_0:
0x88: {  	s2 =	sld [smem:$0x3FD9]  }
0x89: {  	s3 =	sld [smem:$0x3FFE];
	_ =	sdelay $0x1  }
0x8a: {  	s1 =	srdreg.scid  }
0x8b: {  	s0 =	sand.u32 $0x1, s1  }
0x8c: {  	s15 =	sshll.u32 s0, $0xA;
	s2 =	sadd.s32 s3, s2  }
0x8d: {  	s2 =	sadd.s32 s2, s15  }
0x8e: {  	[smem:$0x3FC3] =	sst s2  }
0x8f: {  	_ = 	snop  }
0x90: {  	s2 =	sld [smem:$0x3FC9]  }
0x91: {  	s16 =	sld [smem:$0x3FC8]  }
0x92: {  	s4 =	sld [smem:$0x3FD0]  }
0x93: {  	s5 =	sld [smem:$0x3FC7]  }
0x94: {  	s6 =	sld [smem:$0x3FC6]  }
0x95: {  	s8 =	simm.s32 $0xA;
	s9 =	simm.s32 $0x10;
	s7 =	sld [smem:$0x3FC5]  }
0x96: {  	[smem:s9], [sflag:s8] =	dma.local [hbm:s4], $0x1  }
0x97: {  	_ =	swait.eq [sflag:s8], $0x1  }
0x98: {  	[sflag:s8] =	ssyncset.done $0x0  }
0x99: {  	s17 =	sld [smem:$0x10];
	[sflag:s8] =	ssyncadd.s32 $0xFFFFFFFF  }
0x9a: {  	s18 =	sld [smem:$0x11];
	(tm) =	ssettm $0x1  }
0x9b: {  	s19 =	sld [smem:$0x3FFB];
	_ =	sdelay $0x3  }
0x9c: {  	_ =	strace s19  }
0x9d: {  	s9 =	sld [smem:$0x3FFC];
	_ =	sdelay $0x3  }
0x9e: {  	_ =	strace s9  }
0x9f: {  	s9 =	sld [smem:$0x3FFD];
	_ =	sdelay $0x3  }
0xa0: {  	_ =	strace s9  }
0xa1: {  	_ =	strace $0x8FFFFFFF  }
0xa2: {  	s20 =	sld [smem:$0x3FDB];
	_ =	sdelay $0x1  }
0xa3: {  	s10 =	simm.s32 $_scs_section_size  }
0xa4: {  	s11 =	simm.s32 $_size__tile_overlayer_lowered;
	s12 =	simm.s32 $_tile_overlayer_lowered  }
0xa5: {  	s23 =	simm.s32 $0x1BFF;
	s22 =	sshll.u32 s12, $0x1;
	s9 =	sadd.s32 s10, s20  }
0xa6: {  	s13 =	simm.s32 $0x0;
	s21 =	sshll.u32 s11, $0x1;
	s11 =	sadd.s32 s22, s9  }
0xa7: {  	[timem:s13], [sflag:s23] =	dma.local [hbm:s11], s21  }
0xa8: {  	_ =	swait.ge [sflag:s23], s21  }
0xa9: {  	s10 =	ssub.s32 $0x0, s21;
	[sflag:s23] =	ssyncset.done $0x0  }
0xaa: {  	[sflag:s23] =	ssyncadd.s32 s10;
	_ =	sdelay $0x1  }
0xab: {  	s24 =	simm.s32 $0x1B8B  }
0xac: {  	_ =	swait.ge [sflag:s24], $0x1  }
0xad: {  	[sflag:s24] =	ssyncset.done $0x0  }
0xae: {  	s25 =	simm.s32 $0x1B8E;
	[sflag:s24] =	ssyncadd.s32 $0xFFFFFFFF  }
0xaf: {  	s26 =	simm.s32 $execute0_lowered;
	[smem:$0x3FD2] =	sst s25  }
0xb0: {  	s10 =	sshll.u32 s26, $0x1;
	_ =	strace $0x80000046;
	[dreg:$0x1] =	wrdreg $0xFFFFFFFF  }
0xb1: {  	s28 =	simm.s32 $_size_execute0_lowered;
	s9 =	sadd.s32 s9, s10;
	[dreg:$0x0] =	wrdreg $0x0  }
0xb2: {  	s10 =	sshll.u32 s28, $0x1;
	[dreg:$0x2] =	wrdreg s9  }
0xb3: {  	[dreg:$0x3] =	wrdreg s10  }
0xb4: {  	[dreg:$0x4] =	wrdreg $0xC0  }
0xb5: {  	_ =	task [dreg:s13], $0x5FFFF  }
0xb6: {  	[dreg:$0x1] =	wrdreg $0xFFFFFFFF  }
0xb7: {  	[dreg:$0x0] =	wrdreg $0x60  }
0xb8: {  	[dreg:$0x2] =	wrdreg s2  }
0xb9: {  	[dreg:$0x3] =	wrdreg s16  }
0xba: {  	[dreg:$0x4] =	wrdreg s5  }
0xbb: {  	[dreg:$0x5] =	wrdreg s6  }
0xbc: {  	[dreg:$0x6] =	wrdreg s7  }
0xbd: {  	[dreg:$0x7] =	wrdreg s17  }
0xbe: {  	[dreg:$0x8] =	wrdreg s18  }
0xbf: {  	[dreg:$0x9] =	wrdreg $0x9  }
0xc0: {  	_ =	task.clear_ibuf [dreg:s13], $0xAFFFF;
	_ =	strace $0x90000046  }
0xc1: {  	s29 =	simm.s32 $0x9;
	_ =	strace $0x80000048  }
0xc2: {  	_ =	swait.ge [sflag:s29], $0x1  }
0xc3: {  	[sflag:s29] =	ssyncadd.s32 $0xFFFFFFFF  }
0xc4: {  	_ =	strace $0x90000048  }
0xc5: {  	_ =	sfence  }
0xc6: {  	s30 =	sld [smem:$0x0];
	_ =	sdelay $0x2  }
0xc7: {  	s31 =	sshll.u32 s1, $0xD;
	s1 =	sshrl.u32 s1, $0x2  }
0xc8: {  	s3 =	sand.u32 $0x4000, s31;
	s1 =	sadd.s32 s1, s30  }
0xc9: {  	s0 =	sor.u32 s3, s0;
	s1 =	sshll.u32 s1, $0x11  }
0xca: {  	s0 =	sor.u32 s1, s0  }
0xcb: {  	s0 =	sadd.s32 $0x8F2B, s0  }
0xcc: {  	[sflag:s0] =	ssyncadd.remote.s32 $0x1  }
0xcd: {  	_ =	sfence.sel $0xFFFF  }
0xce: {  	[dreg:$0x0] =	wrdreg $0xFFFFFFFF;
	(pc) =	sbr.abs _section_cstart, $3  }
0xcf: {  	[dreg:$0x1] =	wrdreg $0xFFFFFFFF  }
0xd0: {  	_ =	task.clear_ibuf [dreg:s13], $0x2FFFF;
	_ =	strace $0x9FFFFFFF  }
0xd1: {  	(tm) =	ssettm $0x7FFFFFFF  }
tec
execute0_lowered:
.L_overlay_start_1:
0x0: {  	(tag) =	ssettag $0x1  }
0x1: {  	s0 =	rddreg [dreg:$0x0]  }
0x2: {  	s3 =	rddreg [dreg:$0x1]  }
0x3: {  	s5 =	rddreg [dreg:$0x2]  }
0x4: {  	s1 =	rddreg [dreg:$0x3]  }
0x5: {  	s2 =	rddreg [dreg:$0x4]  }
0x6: {  	s6 =	rddreg [dreg:$0x5]  }
0x7: {  	s15 =	rddreg [dreg:$0x6];
	s4 =	simm.s32 $0x0  }
0x8: {  	s7 =	srdreg.scid;
	s9 =	stileid.u32;
	s19 =	simm.s32 $0x1  }
0x9: {  	s20 =	simm.s32 $0x80;
	s24 =	simm.s32 $0x4600;
	s29 =	simm.s32 $0x14600  }
0xa: {  	s22 =	simm.s32 $0x2;
	s28 =	simm.s32 $0x0;
	s7 =	sand.u32 $0x1, s7  }
0xb: {  	s9 =	sshll.u32 s9, $0x7;
	s8 =	ssub.s32 $0x2, s7;
	s7 =	sshll.u32 s7, $0x6  }
0xc: {  	[smem:$0x7FF] =	sst s4;
	s10 =	sshrl.u32 s8, $0x1;
	s13 =	sor.u32 s7, s9  }
0xd: {  	_ =	strace $0x80000047;
	s16 =	ssub.s32 s8, s10;
	s0 =	sadd.s32 s0, s13  }
0xe: {  	s25 =	sadd.s32 s3, s13;
	s7 =	sadd.s32 s5, s13;
	s8 =	sadd.s32 s6, s13  }
0xf: {  	s26 =	sor.u32 $0x10, s13;
	s9 =	sadd.s32 s15, s13;
	[dreg:$0x8] =	wrdreg s0  }
0x10: {  	s30 =	sor.u32 $0x20, s13;
	s31 =	sor.u32 $0x30, s13;
	[dreg:$0x9] =	wrdreg s25  }
0x11: {  	s10 =	sadd.s32 s6, s26;
	s11 =	sadd.s32 s15, s26;
	s12 =	sadd.s32 s6, s30  }
0x12: {  	s13 =	sadd.s32 s15, s30;
	s14 =	sadd.s32 s6, s31;
	s15 =	sadd.s32 s15, s31  }
0x13: {  	v0 =	vlaneseq.u32;
	s16 =	smax.u32 s16, $0x1;
	s26 =	simm.s32 $0xC600;
	s25 =	simm.s32 $0x3  }
.LBB2_1:
0x14: {  	s0 =	rddreg [dreg:$0x8]  }
0x15: {  	[tilespmem:s4], [sflag:$0x1] =	stream.linear.gather [hbm4b:s0+s4], $0x200, $0x38;
	[tilespmem:$0x18A00] =	vst v63  }
0x16: {  	s6 =	rddreg [dreg:$0x9];
	s3 =	simm.s32 $0x200  }
0x17: {  	[tilespmem:s3], [sflag:$0x1] =	stream.linear.gather [hbm4b:s6+s4], $0x200, $0x38;
	[tilespmem:$0x18A00] =	vst v63  }
0x18: {  	s17 =	simm.s32 $0x400  }
0x19: {  	[tilespmem:s17], [sflag:$0x1] =	stream.linear.gather [hbm4b:s7+s4], $0x200, $0x38;
	[tilespmem:$0x18A00] =	vst v63  }
0x1a: {  	_ =	swait.ge [sflag:s19], $0x200  }
0x1b: {  	[sflag:s19] =	ssyncset.done $0x0  }
0x1c: {  	[sflag:s19] =	ssyncadd.s32 $0xFFFFFE00  }
0x1d: {  	_ =	swait.ge [sflag:s19], $0x200  }
0x1e: {  	[sflag:s19] =	ssyncset.done $0x0  }
0x1f: {  	[sflag:s19] =	ssyncadd.s32 $0xFFFFFE00  }
0x20: {  	_ =	swait.ge [sflag:s19], $0x200  }
0x21: {  	[sflag:s19] =	ssyncset.done $0x0  }
0x22: {  	s5 =	simm.s32 $0x600;
	[sflag:s19] =	ssyncadd.s32 $0xFFFFFE00  }
0x23: {  	[tilespmem:s5], [sflag:$0x1] =	stream.indirect.gather [hbm4b:s1+s20], $0x80, s4, s20, $0xb8;
	[tilespmem:$0x18A00] =	vst v63  }
0x24: {  	s18 =	simm.s32 $0x8600  }
0x25: {  	[tilespmem:s18], [sflag:$0x1] =	stream.indirect.gather [hbm4b:s2+s20], $0x80, s3, s20, $0xb8;
	[tilespmem:$0x18A00] =	vst v63  }
0x26: {  	s21 =	simm.s32 $0x10600  }
0x27: {  	[tilespmem:s21], [sflag:$0x1] =	stream.indirect.gather [hbm4b:s2+s20], $0x80, s17, s20, $0xb8;
	[tilespmem:$0x18A00] =	vst v63  }
0x28: {  	_ = 	snop  }
0x29: {  	[tilespmem:s24], [sflag:$0x2] =	stream.indirect.gather [hbm4b:s1+s20], $0x80, s20, s20, $0xb8;
	[tilespmem:$0x18A00] =	vst v63  }
0x2a: {  	s23 =	simm.s32 $0x280  }
0x2b: {  	[tilespmem:s26], [sflag:$0x2] =	stream.indirect.gather [hbm4b:s2+s20], $0x80, s23, s20, $0xb8;
	[tilespmem:$0x18A00] =	vst v63  }
0x2c: {  	s31 =	simm.s32 $0x480  }
0x2d: {  	[tilespmem:s29], [sflag:$0x2] =	stream.indirect.gather [hbm4b:s2+s20], $0x80, s31, s20, $0xb8;
	[tilespmem:$0x18A00] =	vst v63  }
0x2e: {  	_ =	swait.ge [sflag:s19], $0x4000  }
0x2f: {  	[sflag:s19] =	ssyncset.done $0x0  }
0x30: {  	[sflag:s19] =	ssyncadd.s32 $0xFFFFC000  }
0x31: {  	_ =	swait.ge [sflag:s19], $0x4000  }
0x32: {  	[sflag:s19] =	ssyncset.done $0x0  }
0x33: {  	[sflag:s19] =	ssyncadd.s32 $0xFFFFC000  }
0x34: {  	_ =	swait.ge [sflag:s19], $0x4000  }
0x35: {  	s30 =	simm.s32 $0x0;
	s0 =	simm.s32 $0x640;
	[sflag:s19] =	ssyncset.done $0x0  }
0x36: {  	s3 =	simm.s32 $0x8640;
	s21 =	simm.s32 $0x10640;
	[sflag:s19] =	ssyncadd.s32 $0xFFFFC000  }
.LBB2_2:
0x37: {  	v3 =	vld [tilespmem:s3+$0x30]  }
0x38: {  	v2 =	vld [tilespmem:s3+$0x0]  }
0x39: {  	v1 =	vld [tilespmem:s3+$0xFFFFFFF0]  }
0x3a: {  	v5 =	vld [tilespmem:s3+$0xFFFFFFE0]  }
0x3b: {  	v7 =	vld [tilespmem:s3+$0xFFFFFFC0]  }
0x3c: {  	v8 =	vld [tilespmem:s3+$0xFFFFFFD0]  }
0x3d: {  	v9 =	vld [tilespmem:s0+$0xFFFFFFC0]  }
0x3e: {  	v10 =	vld [tilespmem:s21+$0xFFFFFFC0]  }
0x3f: {  	v11 =	vld [tilespmem:s0+$0xFFFFFFD0]  }
0x40: {  	v12 =	vld [tilespmem:s21+$0xFFFFFFD0]  }
0x41: {  	v13 =	vld [tilespmem:s0+$0xFFFFFFE0]  }
0x42: {  	v14 =	vld [tilespmem:s21+$0xFFFFFFE0]  }
0x43: {  	v15 =	vld [tilespmem:s0+$0xFFFFFFF0]  }
0x44: {  	v16 =	vld [tilespmem:s21+$0xFFFFFFF0]  }
0x45: {  	v17 =	vld [tilespmem:s0+$0x0]  }
0x46: {  	v18 =	vld [tilespmem:s21+$0x0]  }
0x47: {  	v19 =	vld [tilespmem:s0+$0x10];
	v10 =	vmul.f32 v10, v9;
	v12 =	vmul.f32 v12, v11  }
0x48: {  	v7 =	vmul.f32 v7, v9;
	v8 =	vmul.f32 v8, v11;
	v9 =	vld [tilespmem:s21+$0x10]  }
0x49: {  	v11 =	vmul.f32 v14, v13;
	v5 =	vmul.f32 v5, v13;
	v13 =	vld [tilespmem:s0+$0x30];
	v10 =	vadd.f32 v12, v10  }
0x4a: {  	v14 =	vld [tilespmem:s21+$0x30]  }
0x4b: {  	v12 =	vld [tilespmem:s0+$0x20];
	v10 =	vadd.f32 v11, v10;
	v11 =	vmul.f32 v16, v15  }
0x4c: {  	v7 =	vadd.f32 v8, v7;
	v8 =	vld [tilespmem:s21+$0x20]  }
0x4d: {  	v6 =	vld [tilespmem:s3+$0x10];
	v10 =	vadd.f32 v11, v10;
	v11 =	vmul.f32 v18, v17  }
0x4e: {  	v4 =	vld [tilespmem:s3+$0x20];
	s5 =	sadd.s32 $0x80, s3;
	v5 =	vadd.f32 v5, v7;
	v7 =	vmul.f32 v1, v15  }
0x4f: {  	v1 =	vld [tilespmem:s5+$0x30];
	v9 =	vmul.f32 v9, v19;
	v10 =	vadd.f32 v11, v10  }
0x50: {  	s18 =	sadd.s32 $0x80, s21;
	v15 =	vmul.f32 v2, v17;
	v2 =	vld [tilespmem:s5+$0x20];
	v14 =	vmul.f32 v14, v13;
	v7 =	vadd.f32 v7, v5  }
0x51: {  	v3 =	vmul.f32 v3, v13;
	v13 =	vld [tilespmem:s18+$0xFFFFFFC0];
	v9 =	vadd.f32 v9, v10;
	v10 =	vmul.f32 v8, v12  }
0x52: {  	v5 =	vld [tilespmem:s5+$0x10];
	v11 =	vmul.f32 v6, v19;
	v15 =	vadd.f32 v15, v7  }
0x53: {  	v4 =	vmul.f32 v4, v12;
	v6 =	vld [tilespmem:s5+$0x0];
	v12 =	vadd.f32 v10, v9  }
0x54: {  	v7 =	vld [tilespmem:s5+$0xFFFFFFF0];
	v11 =	vadd.f32 v11, v15  }
0x55: {  	v8 =	vld [tilespmem:s5+$0xFFFFFFE0];
	v12 =	vadd.f32 v14, v12  }
0x56: {  	s31 =	sadd.s32 $0x80, s0;
	v9 =	vld [tilespmem:s5+$0xFFFFFFC0];
	v4 =	vadd.f32 v4, v11  }
0x57: {  	v11 =	vld [tilespmem:s31+$0xFFFFFFC0];
	(xrf2) =	vadd.scan.msk.f32 $0xffff, v12  }
0x58: {  	v10 =	vld [tilespmem:s5+$0xFFFFFFD0];
	v4 =	vadd.f32 v3, v4  }
0x59: {  	v12 =	vld [tilespmem:s31+$0xFFFFFFD0]  }
0x5a: {  	s17 =	simm.s32 $0x0;
	s23 =	simm.s32 $0x1;
	s6 =	simm.s32 $0x2;
	v3 =	vimm.f32 $0.0e+00;
	v14 =	vld [tilespmem:s18+$0xFFFFFFD0];
	(xrf2) =	vadd.scan.msk.f32 $0xffff, v4;
	v4 =	vimm.f32 $0.0e+00  }
.LBB2_3:
0x5b: {  	p0 =	sne.s32 s6, $0xF;
	v15 =	vld [tilespmem:s31+$0xFFFFFFE0]  }
0x5c: {  	v9 =	vmul.f32 v9, v11;
	v16 =	vld [tilespmem:s18+$0xFFFFFFE0]  }
0x5d: {  	v17 =	vld [tilespmem:s31+$0xFFFFFFF0]  }
0x5e: {  	v10 =	vmul.f32 v10, v12;
	v18 =	vld [tilespmem:s18+$0xFFFFFFF0]  }
0x5f: {  	v11 =	vmul.f32 v13, v11;
	v12 =	vmul.f32 v14, v12;
	v13 =	vld [tilespmem:s31+$0x0]  }
0x60: {  	v9 =	vadd.f32 v10, v9;
	v8 =	vmul.f32 v8, v15;
	v10 =	vld [tilespmem:s18+$0x0]  }
0x61: {  	v11 =	vadd.f32 v12, v11;
	v12 =	vmul.f32 v16, v15;
	v14 =	vld [tilespmem:s31+$0x10];
	v15, _, _ =	vpop (xrf2)  }
0x62: {  	v16 =	vmov s17;
	s17 =	smov.u32 s23;
	s23 =	smov.u32 s6;
	v8 =	vadd.f32 v8, v9;
	v9 =	vld [tilespmem:s18+$0x10];
	v19 =	vbroadcast v15, $0xF  }
0x63: {  	vm0 =	veq.s32 v16, v0;
	v11 =	vadd.f32 v12, v11;
	v12 =	vmul.f32 v18, v17;
	v18 =	vld [tilespmem:s31+$0x20]  }
0x64: {  	v7 =	vmul.f32 v7, v17;
	v6 =	vmul.f32 v6, v13;
	v16 =	vld [tilespmem:s18+$0x20];
	v3 =	vsel vm0, v19, v3;
	v15, _, _ =	vpop (xrf2)  }
0x65: {  	v11 =	vadd.f32 v12, v11;
	v10 =	vmul.f32 v10, v13;
	v12 =	vld [tilespmem:s31+$0x30];
	v13 =	vbroadcast v15, $0xF  }
0x66: {  	s5 =	sadd.s32 $0x80, s5;
	v7 =	vadd.f32 v7, v8;
	v8 =	vmul.f32 v5, v14;
	v15 =	vld [tilespmem:s18+$0x30]  }
0x67: {  	v17 =	vld [tilespmem:s5+$0x30];
	v10 =	vadd.f32 v10, v11;
	v9 =	vmul.f32 v9, v14;
	v4 =	vsel vm0, v13, v4  }
0x68: {  	v7 =	vadd.f32 v6, v7;
	v11 =	vmul.f32 v2, v18;
	v2 =	vld [tilespmem:s5+$0x20]  }
0x69: {  	v5 =	vld [tilespmem:s5+$0x10];
	v9 =	vadd.f32 v9, v10;
	v10 =	vmul.f32 v16, v18  }
0x6a: {  	v13 =	vadd.f32 v8, v7;
	v6 =	vld [tilespmem:s5+$0x0];
	v14 =	vmul.f32 v1, v12  }
0x6b: {  	v7 =	vld [tilespmem:s5+$0xFFFFFFF0];
	v10 =	vadd.f32 v10, v9;
	v12 =	vmul.f32 v15, v12  }
0x6c: {  	v11 =	vadd.f32 v11, v13;
	v8 =	vld [tilespmem:s5+$0xFFFFFFE0];
	v1 =	vmov v17  }
0x6d: {  	v9 =	vld [tilespmem:s5+$0xFFFFFFC0];
	v12 =	vadd.f32 v12, v10  }
.Ltmp0:
0x6e: {  	s31 =	sadd.s32 $0x80, s31;
	v15 =	vadd.f32 v14, v11;
	v10 =	vld [tilespmem:s5+$0xFFFFFFD0];
	(pc) =	sbr.rel @p0 .LBB2_3-.Ltmp0, $4  }
0x6f: {  	s18 =	sadd.s32 $0x80, s18;
	v11 =	vld [tilespmem:s31+$0xFFFFFFC0];
	(xrf2) =	vadd.scan.msk.f32 $0xffff, v12  }
0x70: {  	v13 =	vld [tilespmem:s18+$0xFFFFFFC0]  }
0x71: {  	v12 =	vld [tilespmem:s31+$0xFFFFFFD0]  }
0x72: {  	s6 =	sadd.s32 $0x1, s6;
	v14 =	vld [tilespmem:s18+$0xFFFFFFD0];
	(xrf2) =	vadd.scan.msk.f32 $0xffff, v15  }
0x73: {  	v15 =	vld [tilespmem:s31+$0xFFFFFFE0]  }
0x74: {  	v16 =	vld [tilespmem:s18+$0xFFFFFFE0]  }
0x75: {  	v17 =	vld [tilespmem:s31+$0xFFFFFFF0]  }
0x76: {  	v18 =	vld [tilespmem:s18+$0xFFFFFFF0]  }
0x77: {  	v19 =	vld [tilespmem:s31+$0x0];
	v13 =	vmul.f32 v13, v11;
	v14 =	vmul.f32 v14, v12  }
0x78: {  	v46 =	vld [tilespmem:s18+$0x0];
	v9 =	vmul.f32 v9, v11;
	v10 =	vmul.f32 v10, v12  }
0x79: {  	v49 =	vld [tilespmem:s31+$0x10];
	v48 =	vmul.f32 v16, v15;
	v47 =	vadd.f32 v14, v13  }
0x7a: {  	v50 =	vld [tilespmem:s18+$0x10];
	v9 =	vadd.f32 v10, v9;
	v8 =	vmul.f32 v8, v15  }
0x7b: {  	v52 =	vld [tilespmem:s31+$0x20];
	v51 =	vmul.f32 v18, v17;
	v12 =	vadd.f32 v48, v47  }
0x7c: {  	v53 =	vld [tilespmem:s18+$0x20];
	v7 =	vmul.f32 v7, v17;
	v8 =	vadd.f32 v8, v9  }
0x7d: {  	v54 =	vld [tilespmem:s31+$0x30];
	v11 =	vmul.f32 v46, v19;
	v12 =	vadd.f32 v51, v12  }
0x7e: {  	v55 =	vld [tilespmem:s18+$0x30];
	v6 =	vmul.f32 v6, v19;
	v7 =	vadd.f32 v7, v8  }
0x7f: {  	v10 =	vmul.f32 v50, v49;
	v11 =	vadd.f32 v11, v12  }
0x80: {  	v5 =	vmul.f32 v5, v49;
	v6 =	vadd.f32 v6, v7  }
0x81: {  	v9 =	vmul.f32 v53, v52;
	v56 =	vadd.f32 v10, v11  }
0x82: {  	v2 =	vmul.f32 v2, v52;
	v5 =	vadd.f32 v5, v6  }
0x83: {  	v58 =	vmul.f32 v55, v54;
	v57 =	vadd.f32 v9, v56  }
0x84: {  	v1 =	vmul.f32 v1, v54;
	v2 =	vadd.f32 v2, v5  }
0x85: {  	v59 =	vadd.f32 v58, v57  }
0x86: {  	v1 =	vadd.f32 v1, v2  }
0x87: {  	(xrf2) =	vadd.scan.msk.f32 $0xffff, v59  }
0x88: {  	(xrf2) =	vadd.scan.msk.f32 $0xffff, v1;
	_ =	sdelay $0x6  }
0x89: {  	v1, _, _ =	vpop (xrf2)  }
0x8a: {  	s5 =	sshll.u32 s30, $0x4;
	s30 =	sadd.s32 $0x1, s30;
	v2, _, _ =	vpop (xrf2)  }
0x8b: {  	v60 =	vmov s17;
	v62 =	vmov s23;
	p0 =	sne.s32 s30, $0x8;
	v1 =	vbroadcast v1, $0xF;
	v5, _, _ =	vpop (xrf2)  }
.Ltmp1:
0x8c: {  	vm0 =	veq.s32 v60, v0;
	v2 =	vbroadcast v2, $0xF;
	v61, _, _ =	vpop (xrf2);
	v63 =	vbroadcast v5, $0xF;
	(pc) =	sbr.rel @p0 .LBB2_2-.Ltmp1, $4  }
0x8d: {  	vm1 =	veq.s32 v62, v0;
	v1 =	vsel vm0, v1, v3;
	v7 =	vbroadcast v61, $0xF  }
0x8e: {  	v2 =	vsel vm0, v2, v4;
	v1 =	vsel vm1, v63, v1  }
0x8f: {  	v2 =	vsel vm1, v7, v2;
	[tilespmem:s5+$0x18800] =	vst v1  }
0x90: {  	s0 =	sadd.s32 $0x800, s0;
	s3 =	sadd.s32 $0x800, s3;
	s21 =	sadd.s32 $0x800, s21;
	[tilespmem:s5+$0x18600] =	vst v2  }
0x91: {  	s30 =	simm.s32 $0x0;
	s0 =	simm.s32 $0x18600  }
0x92: {  	[hbm4b:s8+s30] =	stream.linear.scatter [tilespmem:s0], [sflag:$0x3], $0x80, $0x38;
	[tilespmem:$0x18A00] =	vst v63  }
0x93: {  	s21 =	simm.s32 $0x18800  }
0x94: {  	[hbm4b:s9+s30] =	stream.linear.scatter [tilespmem:s21], [sflag:$0x3], $0x80, $0x38;
	[tilespmem:$0x18A00] =	vst v63  }
0x95: {  	s31 =	simm.s32 $0x600;
	s23 =	simm.s32 $0x100  }
0x96: {  	[tilespmem:s31], [sflag:$0x1] =	stream.indirect.gather [hbm4b:s1+s20], $0x80, s23, s20, $0xb8;
	[tilespmem:$0x18A00] =	vst v63  }
0x97: {  	s3 =	simm.s32 $0x300;
	s0 =	simm.s32 $0x8600  }
0x98: {  	[tilespmem:s0], [sflag:$0x1] =	stream.indirect.gather [hbm4b:s2+s20], $0x80, s3, s20, $0xb8;
	[tilespmem:$0x18A00] =	vst v63  }
0x99: {  	s5 =	simm.s32 $0x500;
	s3 =	simm.s32 $0x10600  }
0x9a: {  	[tilespmem:s3], [sflag:$0x1] =	stream.indirect.gather [hbm4b:s2+s20], $0x80, s5, s20, $0xb8;
	[tilespmem:$0x18A00] =	vst v63  }
0x9b: {  	_ =	swait.ge [sflag:s22], $0x4000  }
0x9c: {  	[sflag:s22] =	ssyncset.done $0x0  }
0x9d: {  	[sflag:s22] =	ssyncadd.s32 $0xFFFFC000  }
0x9e: {  	_ =	swait.ge [sflag:s22], $0x4000  }
0x9f: {  	[sflag:s22] =	ssyncset.done $0x0  }
0xa0: {  	[sflag:s22] =	ssyncadd.s32 $0xFFFFC000  }
0xa1: {  	_ =	swait.ge [sflag:s22], $0x4000  }
0xa2: {  	[sflag:s22] =	ssyncset.done $0x0  }
0xa3: {  	s21 =	simm.s32 $0x0;
	[sflag:s22] =	ssyncadd.s32 $0xFFFFC000  }
.LBB2_6:
0xa4: {  	v2 =	vmov s31  }
0xa5: {  	v1 =	vmov s3;
	_ =	sdelay $0x2  }
0xa6: {  	s6 =	simm.s32 $0x0  }
0xa7: {  	v4 =	vld.idx.msk [tilespmem:v2+s6+$0x4000 ss:$0x1], $0xffff  }
0xa8: {  	v5 =	vld.idx.msk [tilespmem:v1+s6+$0x4000 ss:$0x1], $0xffff  }
0xa9: {  	v6 =	vld.idx.msk [tilespmem:v2+s6+$0x4010 ss:$0x1], $0xffff  }
0xaa: {  	v7 =	vld.idx.msk [tilespmem:v1+s6+$0x4010 ss:$0x1], $0xffff  }
0xab: {  	v8 =	vld.idx.msk [tilespmem:v2+s6+$0x4020 ss:$0x1], $0xffff  }
0xac: {  	v9 =	vld.idx.msk [tilespmem:v1+s6+$0x4020 ss:$0x1], $0xffff  }
0xad: {  	v10 =	vld.idx.msk [tilespmem:v2+s6+$0x4030 ss:$0x1], $0xffff  }
0xae: {  	v11 =	vld.idx.msk [tilespmem:v1+s6+$0x4030 ss:$0x1], $0xffff  }
0xaf: {  	v12 =	vld.idx.msk [tilespmem:v2+s6+$0x4040 ss:$0x1], $0xffff  }
0xb0: {  	v13 =	vld.idx.msk [tilespmem:v1+s6+$0x4040 ss:$0x1], $0xffff  }
0xb1: {  	v14 =	vld.idx.msk [tilespmem:v2+s6+$0x4050 ss:$0x1], $0xffff  }
0xb2: {  	v3 =	vmov s0;
	v15 =	vld.idx.msk [tilespmem:v1+s6+$0x4050 ss:$0x1], $0xffff  }
0xb3: {  	v16 =	vld.idx.msk [tilespmem:v2+s6+$0x4060 ss:$0x1], $0xffff  }
0xb4: {  	v17 =	vld.idx.msk [tilespmem:v1+s6+$0x4060 ss:$0x1], $0xffff  }
0xb5: {  	v18 =	vld.idx.msk [tilespmem:v2+s6+$0x4070 ss:$0x1], $0xffff  }
0xb6: {  	v19 =	vld.idx.msk [tilespmem:v1+s6+$0x4070 ss:$0x1], $0xffff  }
0xb7: {  	v20 =	vld.idx.msk [tilespmem:v3+s6+$0x4000 ss:$0x1], $0xffff  }
0xb8: {  	v21 =	vld.idx.msk [tilespmem:v3+s6+$0x4010 ss:$0x1], $0xffff  }
0xb9: {  	v22 =	vld.idx.msk [tilespmem:v3+s6+$0x4020 ss:$0x1], $0xffff  }
0xba: {  	v23 =	vld.idx.msk [tilespmem:v3+s6+$0x4030 ss:$0x1], $0xffff;
	v5 =	vmul.f32 v5, v4;
	v7 =	vmul.f32 v7, v6  }
0xbb: {  	v24 =	vld.idx.msk [tilespmem:v3+s6+$0x4040 ss:$0x1], $0xffff  }
0xbc: {  	s5 =	simm.s32 $0x80;
	v25 =	vld.idx.msk [tilespmem:v3+s6+$0x4060 ss:$0x1], $0xffff;
	v5 =	vadd.f32 v7, v5;
	v7 =	vmul.f32 v9, v8  }
0xbd: {  	v59 =	vld.idx.msk [tilespmem:v2+s5+$0x4010 ss:$0x1], $0xffff;
	v4 =	vmul.f32 v20, v4;
	v6 =	vmul.f32 v21, v6  }
0xbe: {  	v20 =	vld.idx.msk [tilespmem:v2+s5+$0x4000 ss:$0x1], $0xffff;
	v5 =	vadd.f32 v7, v5;
	v7 =	vmul.f32 v11, v10  }
0xbf: {  	v9 =	vld.idx.msk [tilespmem:v3+s6+$0x4050 ss:$0x1], $0xffff;
	v8 =	vmul.f32 v22, v8;
	v4 =	vadd.f32 v6, v4  }
0xc0: {  	v6 =	vmul.f32 v15, v14;
	v15 =	vld.idx.msk [tilespmem:v2+s5+$0x4020 ss:$0x1], $0xffff;
	v5 =	vadd.f32 v7, v5;
	v7 =	vmul.f32 v13, v12  }
0xc1: {  	v11 =	vld.idx.msk [tilespmem:v3+s6+$0x4070 ss:$0x1], $0xffff;
	v10 =	vmul.f32 v23, v10;
	v4 =	vadd.f32 v8, v4  }
0xc2: {  	v13 =	vld.idx.msk [tilespmem:v1+s5+$0x4000 ss:$0x1], $0xffff;
	v5 =	vadd.f32 v7, v5  }
0xc3: {  	v12 =	vmul.f32 v24, v12;
	v4 =	vadd.f32 v10, v4;
	v7 =	vld.idx.msk [tilespmem:v1+s5+$0x4010 ss:$0x1], $0xffff  }
0xc4: {  	v8 =	vld.idx.msk [tilespmem:v1+s5+$0x4020 ss:$0x1], $0xffff;
	v5 =	vadd.f32 v6, v5;
	v6 =	vmul.f32 v17, v16  }
0xc5: {  	v10 =	vld.idx.msk [tilespmem:v2+s5+$0x4030 ss:$0x1], $0xffff;
	v9 =	vmul.f32 v9, v14;
	v4 =	vadd.f32 v12, v4  }
0xc6: {  	v14 =	vld.idx.msk [tilespmem:v2+s5+$0x4040 ss:$0x1], $0xffff;
	v5 =	vadd.f32 v6, v5;
	v6 =	vmul.f32 v19, v18  }
0xc7: {  	v12 =	vmul.f32 v25, v16;
	v17 =	vld.idx.msk [tilespmem:v1+s5+$0x4030 ss:$0x1], $0xffff;
	v4 =	vadd.f32 v9, v4  }
0xc8: {  	v16 =	vld.idx.msk [tilespmem:v1+s5+$0x4040 ss:$0x1], $0xffff;
	v13 =	vmul.f32 v13, v20;
	v7 =	vmul.f32 v7, v59;
	v5 =	vadd.f32 v6, v5  }
0xc9: {  	v8 =	vmul.f32 v8, v15;
	v9 =	vld.idx.msk [tilespmem:v1+s5+$0x4050 ss:$0x1], $0xffff;
	v4 =	vadd.f32 v12, v4  }
0xca: {  	v12 =	vld.idx.msk [tilespmem:v1+s5+$0x4060 ss:$0x1], $0xffff;
	(xrf2) =	vadd.scan.msk.f32 $0xffff, v5;
	v5 =	vmul.f32 v11, v18;
	v11 =	vadd.f32 v7, v13  }
0xcb: {  	v6 =	vld.idx.msk [tilespmem:v2+s5+$0x4050 ss:$0x1], $0xffff  }
0xcc: {  	v7 =	vld.idx.msk [tilespmem:v2+s5+$0x4060 ss:$0x1], $0xffff;
	v13 =	vmul.f32 v17, v10;
	v11 =	vadd.f32 v8, v11  }
0xcd: {  	v8 =	vld.idx.msk [tilespmem:v2+s5+$0x4070 ss:$0x1], $0xffff;
	v4 =	vadd.f32 v5, v4  }
0xce: {  	v5 =	vld.idx.msk [tilespmem:v1+s5+$0x4070 ss:$0x1], $0xffff;
	v11 =	vadd.f32 v13, v11;
	v13 =	vmul.f32 v16, v14  }
0xcf: {  	v16 =	vld.idx.msk [tilespmem:v3+s5+$0x4000 ss:$0x1], $0xffff;
	(xrf2) =	vadd.scan.msk.f32 $0xffff, v4  }
0xd0: {  	v9 =	vmul.f32 v9, v6;
	v4 =	vld.idx.msk [tilespmem:v3+s5+$0x4010 ss:$0x1], $0xffff;
	v11 =	vadd.f32 v13, v11  }
0xd1: {  	v60 =	vld.idx.msk [tilespmem:v3+s5+$0x4030 ss:$0x1], $0xffff  }
0xd2: {  	v61 =	vld.idx.msk [tilespmem:v3+s5+$0x4040 ss:$0x1], $0xffff;
	v9 =	vadd.f32 v9, v11;
	v11 =	vmul.f32 v12, v7  }
0xd3: {  	v17 =	vld.idx.msk [tilespmem:v3+s5+$0x4020 ss:$0x1], $0xffff  }
0xd4: {  	v13 =	vld.idx.msk [tilespmem:v3+s5+$0x4050 ss:$0x1], $0xffff;
	v19 =	vmul.f32 v5, v8;
	v9 =	vadd.f32 v11, v9  }
0xd5: {  	v62 =	vmov s30;
	v16 =	vmul.f32 v16, v20;
	v20 =	vmul.f32 v4, v59;
	v12, _, _ =	vpop (xrf2);
	v11 =	vld.idx.msk [tilespmem:v3+s5+$0x4070 ss:$0x1], $0xffff  }
0xd6: {  	s17 =	simm.s32 $0x100;
	vm0 =	veq.s32 v62, v0;
	v18 =	vbroadcast v12, $0xF;
	v12 =	vld.idx.msk [tilespmem:v3+s5+$0x4060 ss:$0x1], $0xffff;
	v63 =	vadd.f32 v19, v9  }
0xd7: {  	v5 =	vimm.f32 $0.0e+00;
	v9 =	vld.idx.msk [tilespmem:v2+s17+$0x4000 ss:$0x1], $0xffff;
	v19 =	vadd.f32 v20, v16;
	v16 =	vmul.f32 v60, v10  }
0xd8: {  	v10 =	vld.idx.msk [tilespmem:v2+s17+$0x4010 ss:$0x1], $0xffff;
	v4 =	vsel vm0, v18, v5;
	v18 =	vmul.f32 v17, v15;
	(xrf2) =	vadd.scan.msk.f32 $0xffff, v63  }
0xd9: {  	s23 =	simm.s32 $0x0;
	s5 =	simm.s32 $0x600;
	v17 =	vld.idx.msk [tilespmem:v1+s17+$0x4000 ss:$0x1], $0xffff;
	v15 =	vmul.f32 v61, v14;
	v14, _, _ =	vpop (xrf2)  }
.LBB2_7:
0xda: {  	p0 =	sne.s32 s5, $0x1E00;
	v20 =	vld.idx.msk [tilespmem:v1+s17+$0x4010 ss:$0x1], $0xffff;
	v18 =	vadd.f32 v18, v19;
	v6 =	vmul.f32 v13, v6;
	v13 =	vbroadcast v14, $0xF  }
0xdb: {  	v7 =	vmul.f32 v12, v7;
	v14 =	vld.idx.msk [tilespmem:v2+s17+$0x4020 ss:$0x1], $0xffff  }
0xdc: {  	v11 =	vmul.f32 v11, v8;
	v12 =	vld.idx.msk [tilespmem:v1+s17+$0x4020 ss:$0x1], $0xffff;
	v16 =	vadd.f32 v16, v18;
	v5 =	vsel vm0, v13, v5  }
0xdd: {  	v21 =	vld.idx.msk [tilespmem:v2+s17+$0x4030 ss:$0x1], $0xffff  }
0xde: {  	v8 =	vld.idx.msk [tilespmem:v1+s17+$0x4030 ss:$0x1], $0xffff;
	v13 =	vadd.f32 v15, v16  }
0xdf: {  	v15 =	vld.idx.msk [tilespmem:v2+s17+$0x4040 ss:$0x1], $0xffff  }
0xe0: {  	v16 =	vmul.f32 v17, v9;
	v17 =	vmul.f32 v20, v10;
	v18 =	vld.idx.msk [tilespmem:v1+s17+$0x4040 ss:$0x1], $0xffff;
	v13 =	vadd.f32 v6, v13  }
0xe1: {  	v6 =	vld.idx.msk [tilespmem:v2+s17+$0x4050 ss:$0x1], $0xffff  }
0xe2: {  	s23 =	sadd.s32 $0x1, s23;
	v16 =	vadd.f32 v17, v16;
	v12 =	vmul.f32 v12, v14;
	v17 =	vld.idx.msk [tilespmem:v1+s17+$0x4050 ss:$0x1], $0xffff;
	v13 =	vadd.f32 v7, v13;
	v19, _, _ =	vpop (xrf2)  }
0xe3: {  	v20 =	vmov s23;
	v7 =	vld.idx.msk [tilespmem:v2+s17+$0x4060 ss:$0x1], $0xffff;
	v19 =	vbroadcast v19, $0xF  }
0xe4: {  	vm0 =	veq.s32 v20, v0;
	v12 =	vadd.f32 v12, v16;
	v16 =	vmul.f32 v8, v21;
	v22 =	vld.idx.msk [tilespmem:v1+s17+$0x4060 ss:$0x1], $0xffff  }
0xe5: {  	v11 =	vadd.f32 v11, v13;
	v8 =	vld.idx.msk [tilespmem:v2+s17+$0x4070 ss:$0x1], $0xffff;
	v4 =	vsel vm0, v19, v4  }
0xe6: {  	v12 =	vadd.f32 v16, v12;
	v13 =	vmul.f32 v18, v15;
	v16 =	vld.idx.msk [tilespmem:v1+s17+$0x4070 ss:$0x1], $0xffff  }
0xe7: {  	v18 =	vld.idx.msk [tilespmem:v3+s17+$0x4000 ss:$0x1], $0xffff;
	(xrf2) =	vadd.scan.msk.f32 $0xffff, v11  }
0xe8: {  	v12 =	vadd.f32 v13, v12;
	v13 =	vmul.f32 v17, v6;
	v11 =	vld.idx.msk [tilespmem:v3+s17+$0x4010 ss:$0x1], $0xffff  }
0xe9: {  	v17 =	vld.idx.msk [tilespmem:v3+s17+$0x4020 ss:$0x1], $0xffff  }
0xea: {  	v12 =	vadd.f32 v13, v12;
	v19 =	vmul.f32 v22, v7;
	v20 =	vld.idx.msk [tilespmem:v3+s17+$0x4030 ss:$0x1], $0xffff  }
0xeb: {  	v22 =	vld.idx.msk [tilespmem:v3+s17+$0x4040 ss:$0x1], $0xffff  }
0xec: {  	v19 =	vadd.f32 v19, v12;
	v16 =	vmul.f32 v16, v8;
	v13 =	vld.idx.msk [tilespmem:v3+s17+$0x4050 ss:$0x1], $0xffff  }
.Ltmp2:
0xed: {  	v23 =	vmul.f32 v18, v9;
	v12 =	vld.idx.msk [tilespmem:v3+s17+$0x4060 ss:$0x1], $0xffff;
	(pc) =	sbr.rel @p0 .LBB2_7-.Ltmp2, $4  }
0xee: {  	v10 =	vmul.f32 v11, v10;
	v24 =	vadd.f32 v16, v19;
	v11 =	vld.idx.msk [tilespmem:v3+s17+$0x4070 ss:$0x1], $0xffff;
	s17 =	sshra.s32 s5, $0x2  }
0xef: {  	v18 =	vmul.f32 v17, v14;
	v9 =	vld.idx.msk [tilespmem:v2+s17+$0x4000 ss:$0x1], $0xffff  }
0xf0: {  	v19 =	vadd.f32 v10, v23;
	v16 =	vmul.f32 v20, v21;
	v17 =	vld.idx.msk [tilespmem:v1+s17+$0x4000 ss:$0x1], $0xffff;
	(xrf2) =	vadd.scan.msk.f32 $0xffff, v24  }
0xf1: {  	s5 =	sadd.s32 $0x200, s5;
	v15 =	vmul.f32 v22, v15;
	v10 =	vld.idx.msk [tilespmem:v2+s17+$0x4010 ss:$0x1], $0xffff;
	v14, _, _ =	vpop (xrf2)  }
0xf2: {  	_ =	sdelay $0x3  }
0xf3: {  	v20 =	vld.idx.msk [tilespmem:v1+s17+$0x4010 ss:$0x1], $0xffff  }
0xf4: {  	v21 =	vld.idx.msk [tilespmem:v2+s17+$0x4020 ss:$0x1], $0xffff  }
0xf5: {  	v22 =	vld.idx.msk [tilespmem:v1+s17+$0x4020 ss:$0x1], $0xffff  }
0xf6: {  	v23 =	vld.idx.msk [tilespmem:v2+s17+$0x4030 ss:$0x1], $0xffff  }
0xf7: {  	v24 =	vld.idx.msk [tilespmem:v1+s17+$0x4030 ss:$0x1], $0xffff  }
0xf8: {  	v25 =	vld.idx.msk [tilespmem:v2+s17+$0x4040 ss:$0x1], $0xffff  }
0xf9: {  	v26 =	vld.idx.msk [tilespmem:v1+s17+$0x4040 ss:$0x1], $0xffff  }
0xfa: {  	v27 =	vld.idx.msk [tilespmem:v3+s17+$0x4000 ss:$0x1], $0xffff  }
0xfb: {  	v28 =	vld.idx.msk [tilespmem:v3+s17+$0x4010 ss:$0x1], $0xffff  }
0xfc: {  	v29 =	vld.idx.msk [tilespmem:v2+s17+$0x4050 ss:$0x1], $0xffff  }
0xfd: {  	v30 =	vld.idx.msk [tilespmem:v3+s17+$0x4020 ss:$0x1], $0xffff  }
0xfe: {  	v31 =	vld.idx.msk [tilespmem:v1+s17+$0x4050 ss:$0x1], $0xffff  }
0xff: {  	v32 =	vld.idx.msk [tilespmem:v3+s17+$0x4030 ss:$0x1], $0xffff;
	v17 =	vmul.f32 v17, v9;
	v20 =	vmul.f32 v20, v10  }
0x100: {  	v43 =	vld.idx.msk [tilespmem:v2+s17+$0x4060 ss:$0x1], $0xffff;
	v41 =	vmul.f32 v27, v9;
	v42 =	vmul.f32 v28, v10  }
0x101: {  	v45 =	vld.idx.msk [tilespmem:v3+s17+$0x4040 ss:$0x1], $0xffff;
	v18 =	vadd.f32 v18, v19;
	v44 =	vmul.f32 v22, v21;
	v17 =	vadd.f32 v20, v17  }
0x102: {  	v47 =	vld.idx.msk [tilespmem:v1+s17+$0x4060 ss:$0x1], $0xffff;
	v46 =	vmul.f32 v30, v21;
	v9 =	vadd.f32 v42, v41  }
0x103: {  	v49 =	vld.idx.msk [tilespmem:v3+s17+$0x4050 ss:$0x1], $0xffff;
	v16 =	vadd.f32 v16, v18;
	v48 =	vmul.f32 v24, v23;
	v17 =	vadd.f32 v44, v17  }
0x104: {  	v2 =	vld.idx.msk [tilespmem:v2+s17+$0x4070 ss:$0x1], $0xffff;
	v6 =	vmul.f32 v13, v6;
	v50 =	vmul.f32 v32, v23;
	v9 =	vadd.f32 v46, v9  }
0x105: {  	v53 =	vld.idx.msk [tilespmem:v3+s17+$0x4060 ss:$0x1], $0xffff;
	v15 =	vadd.f32 v15, v16;
	v52 =	vmul.f32 v26, v25;
	v51 =	vadd.f32 v48, v17  }
0x106: {  	v1 =	vld.idx.msk [tilespmem:v1+s17+$0x4070 ss:$0x1], $0xffff;
	v7 =	vmul.f32 v12, v7;
	v54 =	vmul.f32 v45, v25;
	v9 =	vadd.f32 v50, v9  }
0x107: {  	v3 =	vld.idx.msk [tilespmem:v3+s17+$0x4070 ss:$0x1], $0xffff;
	v56 =	vmul.f32 v31, v29;
	v6 =	vadd.f32 v6, v15;
	v55 =	vadd.f32 v52, v51  }
0x108: {  	v8 =	vmul.f32 v11, v8;
	v57 =	vmul.f32 v49, v29;
	v9 =	vadd.f32 v54, v9  }
0x109: {  	v10 =	vmul.f32 v47, v43;
	v6 =	vadd.f32 v7, v6;
	v58 =	vadd.f32 v56, v55  }
0x10a: {  	v59 =	vmul.f32 v53, v43;
	v9 =	vadd.f32 v57, v9  }
0x10b: {  	v1 =	vmul.f32 v1, v2;
	v6 =	vadd.f32 v8, v6;
	v10 =	vadd.f32 v10, v58  }
0x10c: {  	v2 =	vmul.f32 v3, v2;
	v3 =	vadd.f32 v59, v9  }
0x10d: {  	(xrf2) =	vadd.scan.msk.f32 $0xffff, v6;
	v1 =	vadd.f32 v1, v10  }
0x10e: {  	v2 =	vadd.f32 v2, v3  }
0x10f: {  	(xrf2) =	vadd.scan.msk.f32 $0xffff, v1  }
0x110: {  	(xrf2) =	vadd.scan.msk.f32 $0xffff, v2;
	_ =	sdelay $0x5  }
0x111: {  	v1, _, _ =	vpop (xrf2)  }
0x112: {  	s5 =	sadd.s32 $0x1, s23;
	v2 =	vbroadcast v14, $0xF;
	v3, _, _ =	vpop (xrf2)  }
0x113: {  	s23 =	sshll.u32 s21, $0x4;
	s21 =	sadd.s32 $0x1, s21;
	v61 =	vmov s5;
	v3 =	vbroadcast v3, $0xF  }
0x114: {  	s5 =	sadd.s32 $0x1, s5;
	p0 =	sne.s32 s21, $0x8;
	vm15 =	veq.s32 v61, v0;
	v2 =	vsel vm0, v2, v5;
	v1 =	vbroadcast v1, $0xF;
	v60, _, _ =	vpop (xrf2)  }
.Ltmp3:
0x115: {  	v63 =	vmov s5;
	v2 =	vsel vm15, v3, v2;
	v62, _, _ =	vpop (xrf2);
	v3 =	vbroadcast v60, $0xF;
	(pc) =	sbr.rel @p0 .LBB2_6-.Ltmp3, $4  }
0x116: {  	vm1 =	veq.s32 v63, v0;
	v1 =	vsel vm15, v1, v4;
	v7 =	vbroadcast v62, $0xF  }
0x117: {  	v1 =	vsel vm1, v3, v1  }
0x118: {  	v2 =	vsel vm1, v7, v2;
	[tilespmem:s23+$0x18880] =	vst v1  }
0x119: {  	s31 =	sadd.s32 $0x800, s31;
	s0 =	sadd.s32 $0x800, s0;
	s3 =	sadd.s32 $0x800, s3;
	[tilespmem:s23+$0x18680] =	vst v2  }
0x11a: {  	s0 =	simm.s32 $0x0;
	s3 =	simm.s32 $0x18680  }
0x11b: {  	[hbm4b:s10+s0] =	stream.linear.scatter [tilespmem:s3], [sflag:$0x3], $0x80, $0x38;
	[tilespmem:$0x18A00] =	vst v63  }
0x11c: {  	s18 =	simm.s32 $0x18880  }
0x11d: {  	[hbm4b:s11+s0] =	stream.linear.scatter [tilespmem:s18], [sflag:$0x3], $0x80, $0x38;
	[tilespmem:$0x18A00] =	vst v63  }
0x11e: {  	s21 =	simm.s32 $0x180  }
0x11f: {  	[tilespmem:s24], [sflag:$0x2] =	stream.indirect.gather [hbm4b:s1+s20], $0x80, s21, s20, $0xb8;
	[tilespmem:$0x18A00] =	vst v63  }
0x120: {  	s23 =	simm.s32 $0x380  }
0x121: {  	[tilespmem:s26], [sflag:$0x2] =	stream.indirect.gather [hbm4b:s2+s20], $0x80, s23, s20, $0xb8;
	[tilespmem:$0x18A00] =	vst v63  }
0x122: {  	s31 =	simm.s32 $0x580  }
0x123: {  	[tilespmem:s29], [sflag:$0x2] =	stream.indirect.gather [hbm4b:s2+s20], $0x80, s31, s20, $0xb8;
	[tilespmem:$0x18A00] =	vst v63  }
0x124: {  	_ =	swait.ge [sflag:s19], $0x4000  }
0x125: {  	[sflag:s19] =	ssyncset.done $0x0  }
0x126: {  	[sflag:s19] =	ssyncadd.s32 $0xFFFFC000  }
0x127: {  	_ =	swait.ge [sflag:s19], $0x4000  }
0x128: {  	[sflag:s19] =	ssyncset.done $0x0  }
0x129: {  	[sflag:s19] =	ssyncadd.s32 $0xFFFFC000  }
0x12a: {  	_ =	swait.ge [sflag:s19], $0x4000  }
0x12b: {  	s30 =	simm.s32 $0x10640;
	[sflag:s19] =	ssyncset.done $0x0  }
0x12c: {  	s3 =	simm.s32 $0x640;
	s21 =	simm.s32 $0x8640;
	[sflag:s19] =	ssyncadd.s32 $0xFFFFC000  }
.LBB2_10:
0x12d: {  	v3 =	vld [tilespmem:s21+$0x30]  }
0x12e: {  	v2 =	vld [tilespmem:s21+$0x0]  }
0x12f: {  	v1 =	vld [tilespmem:s21+$0xFFFFFFF0]  }
0x130: {  	v5 =	vld [tilespmem:s21+$0xFFFFFFE0]  }
0x131: {  	v7 =	vld [tilespmem:s21+$0xFFFFFFC0]  }
0x132: {  	v8 =	vld [tilespmem:s21+$0xFFFFFFD0]  }
0x133: {  	v9 =	vld [tilespmem:s3+$0xFFFFFFC0]  }
0x134: {  	v10 =	vld [tilespmem:s30+$0xFFFFFFC0]  }
0x135: {  	v11 =	vld [tilespmem:s3+$0xFFFFFFD0]  }
0x136: {  	v12 =	vld [tilespmem:s30+$0xFFFFFFD0]  }
0x137: {  	v13 =	vld [tilespmem:s3+$0xFFFFFFE0]  }
0x138: {  	v14 =	vld [tilespmem:s30+$0xFFFFFFE0]  }
0x139: {  	v15 =	vld [tilespmem:s3+$0xFFFFFFF0]  }
0x13a: {  	v16 =	vld [tilespmem:s30+$0xFFFFFFF0]  }
0x13b: {  	v17 =	vld [tilespmem:s3+$0x0]  }
0x13c: {  	v18 =	vld [tilespmem:s30+$0x0]  }
0x13d: {  	v19 =	vld [tilespmem:s3+$0x10];
	v10 =	vmul.f32 v10, v9;
	v12 =	vmul.f32 v12, v11  }
0x13e: {  	v7 =	vmul.f32 v7, v9;
	v8 =	vmul.f32 v8, v11;
	v9 =	vld [tilespmem:s30+$0x10]  }
0x13f: {  	v11 =	vmul.f32 v14, v13;
	v5 =	vmul.f32 v5, v13;
	v13 =	vld [tilespmem:s3+$0x30];
	v10 =	vadd.f32 v12, v10  }
0x140: {  	v14 =	vld [tilespmem:s30+$0x30]  }
0x141: {  	v12 =	vld [tilespmem:s3+$0x20];
	v10 =	vadd.f32 v11, v10;
	v11 =	vmul.f32 v16, v15  }
0x142: {  	v7 =	vadd.f32 v8, v7;
	v8 =	vld [tilespmem:s30+$0x20]  }
0x143: {  	v6 =	vld [tilespmem:s21+$0x10];
	v10 =	vadd.f32 v11, v10;
	v11 =	vmul.f32 v18, v17  }
0x144: {  	v4 =	vld [tilespmem:s21+$0x20];
	s5 =	sadd.s32 $0x80, s21;
	v5 =	vadd.f32 v5, v7;
	v7 =	vmul.f32 v1, v15  }
0x145: {  	v1 =	vld [tilespmem:s5+$0x30];
	v9 =	vmul.f32 v9, v19;
	v10 =	vadd.f32 v11, v10  }
0x146: {  	s31 =	sadd.s32 $0x80, s30;
	v15 =	vmul.f32 v2, v17;
	v2 =	vld [tilespmem:s5+$0x20];
	v14 =	vmul.f32 v14, v13;
	v7 =	vadd.f32 v7, v5  }
0x147: {  	v3 =	vmul.f32 v3, v13;
	v13 =	vld [tilespmem:s31+$0xFFFFFFC0];
	v9 =	vadd.f32 v9, v10;
	v10 =	vmul.f32 v8, v12  }
0x148: {  	v5 =	vld [tilespmem:s5+$0x10];
	v11 =	vmul.f32 v6, v19;
	v15 =	vadd.f32 v15, v7  }
0x149: {  	v4 =	vmul.f32 v4, v12;
	v6 =	vld [tilespmem:s5+$0x0];
	v12 =	vadd.f32 v10, v9  }
0x14a: {  	v7 =	vld [tilespmem:s5+$0xFFFFFFF0];
	v11 =	vadd.f32 v11, v15  }
0x14b: {  	v8 =	vld [tilespmem:s5+$0xFFFFFFE0];
	v12 =	vadd.f32 v14, v12  }
0x14c: {  	s18 =	sadd.s32 $0x80, s3;
	v9 =	vld [tilespmem:s5+$0xFFFFFFC0];
	v4 =	vadd.f32 v4, v11  }
0x14d: {  	v11 =	vld [tilespmem:s18+$0xFFFFFFC0];
	(xrf2) =	vadd.scan.msk.f32 $0xffff, v12  }
0x14e: {  	v10 =	vld [tilespmem:s5+$0xFFFFFFD0];
	v4 =	vadd.f32 v3, v4  }
0x14f: {  	v12 =	vld [tilespmem:s18+$0xFFFFFFD0]  }
0x150: {  	s23 =	simm.s32 $0x1;
	s6 =	simm.s32 $0x2;
	s17 =	simm.s32 $0x0;
	v3 =	vimm.f32 $0.0e+00;
	v14 =	vld [tilespmem:s31+$0xFFFFFFD0];
	(xrf2) =	vadd.scan.msk.f32 $0xffff, v4;
	v4 =	vimm.f32 $0.0e+00  }
.LBB2_11:
0x151: {  	p0 =	sne.s32 s6, $0xF;
	v15 =	vld [tilespmem:s18+$0xFFFFFFE0]  }
0x152: {  	v9 =	vmul.f32 v9, v11;
	v16 =	vld [tilespmem:s31+$0xFFFFFFE0]  }
0x153: {  	v17 =	vld [tilespmem:s18+$0xFFFFFFF0]  }
0x154: {  	v10 =	vmul.f32 v10, v12;
	v18 =	vld [tilespmem:s31+$0xFFFFFFF0]  }
0x155: {  	v11 =	vmul.f32 v13, v11;
	v12 =	vmul.f32 v14, v12;
	v13 =	vld [tilespmem:s18+$0x0]  }
0x156: {  	v9 =	vadd.f32 v10, v9;
	v8 =	vmul.f32 v8, v15;
	v10 =	vld [tilespmem:s31+$0x0]  }
0x157: {  	v11 =	vadd.f32 v12, v11;
	v12 =	vmul.f32 v16, v15;
	v14 =	vld [tilespmem:s18+$0x10];
	v15, _, _ =	vpop (xrf2)  }
0x158: {  	v16 =	vmov s17;
	s17 =	smov.u32 s23;
	s23 =	smov.u32 s6;
	v8 =	vadd.f32 v8, v9;
	v9 =	vld [tilespmem:s31+$0x10];
	v19 =	vbroadcast v15, $0xF  }
0x159: {  	vm0 =	veq.s32 v16, v0;
	v11 =	vadd.f32 v12, v11;
	v12 =	vmul.f32 v18, v17;
	v18 =	vld [tilespmem:s18+$0x20]  }
0x15a: {  	v7 =	vmul.f32 v7, v17;
	v6 =	vmul.f32 v6, v13;
	v16 =	vld [tilespmem:s31+$0x20];
	v3 =	vsel vm0, v19, v3;
	v15, _, _ =	vpop (xrf2)  }
0x15b: {  	v11 =	vadd.f32 v12, v11;
	v10 =	vmul.f32 v10, v13;
	v12 =	vld [tilespmem:s18+$0x30];
	v13 =	vbroadcast v15, $0xF  }
0x15c: {  	s5 =	sadd.s32 $0x80, s5;
	v7 =	vadd.f32 v7, v8;
	v8 =	vmul.f32 v5, v14;
	v15 =	vld [tilespmem:s31+$0x30]  }
0x15d: {  	v17 =	vld [tilespmem:s5+$0x30];
	v10 =	vadd.f32 v10, v11;
	v9 =	vmul.f32 v9, v14;
	v4 =	vsel vm0, v13, v4  }
0x15e: {  	v7 =	vadd.f32 v6, v7;
	v11 =	vmul.f32 v2, v18;
	v2 =	vld [tilespmem:s5+$0x20]  }
0x15f: {  	v5 =	vld [tilespmem:s5+$0x10];
	v9 =	vadd.f32 v9, v10;
	v10 =	vmul.f32 v16, v18  }
0x160: {  	v13 =	vadd.f32 v8, v7;
	v6 =	vld [tilespmem:s5+$0x0];
	v14 =	vmul.f32 v1, v12  }
0x161: {  	v7 =	vld [tilespmem:s5+$0xFFFFFFF0];
	v10 =	vadd.f32 v10, v9;
	v12 =	vmul.f32 v15, v12  }
0x162: {  	v11 =	vadd.f32 v11, v13;
	v8 =	vld [tilespmem:s5+$0xFFFFFFE0];
	v1 =	vmov v17  }
0x163: {  	v9 =	vld [tilespmem:s5+$0xFFFFFFC0];
	v12 =	vadd.f32 v12, v10  }
.Ltmp4:
0x164: {  	s18 =	sadd.s32 $0x80, s18;
	v15 =	vadd.f32 v14, v11;
	v10 =	vld [tilespmem:s5+$0xFFFFFFD0];
	(pc) =	sbr.rel @p0 .LBB2_11-.Ltmp4, $4  }
0x165: {  	s31 =	sadd.s32 $0x80, s31;
	v11 =	vld [tilespmem:s18+$0xFFFFFFC0];
	(xrf2) =	vadd.scan.msk.f32 $0xffff, v12  }
0x166: {  	v13 =	vld [tilespmem:s31+$0xFFFFFFC0]  }
0x167: {  	v12 =	vld [tilespmem:s18+$0xFFFFFFD0]  }
0x168: {  	s6 =	sadd.s32 $0x1, s6;
	v14 =	vld [tilespmem:s31+$0xFFFFFFD0];
	(xrf2) =	vadd.scan.msk.f32 $0xffff, v15  }
0x169: {  	v15 =	vld [tilespmem:s18+$0xFFFFFFE0]  }
0x16a: {  	v16 =	vld [tilespmem:s31+$0xFFFFFFE0]  }
0x16b: {  	v17 =	vld [tilespmem:s18+$0xFFFFFFF0]  }
0x16c: {  	v18 =	vld [tilespmem:s31+$0xFFFFFFF0]  }
0x16d: {  	v19 =	vld [tilespmem:s18+$0x0];
	v13 =	vmul.f32 v13, v11;
	v14 =	vmul.f32 v14, v12  }
0x16e: {  	v46 =	vld [tilespmem:s31+$0x0];
	v9 =	vmul.f32 v9, v11;
	v10 =	vmul.f32 v10, v12  }
0x16f: {  	v49 =	vld [tilespmem:s18+$0x10];
	v48 =	vmul.f32 v16, v15;
	v47 =	vadd.f32 v14, v13  }
0x170: {  	v50 =	vld [tilespmem:s31+$0x10];
	v9 =	vadd.f32 v10, v9;
	v8 =	vmul.f32 v8, v15  }
0x171: {  	v52 =	vld [tilespmem:s18+$0x20];
	v51 =	vmul.f32 v18, v17;
	v12 =	vadd.f32 v48, v47  }
0x172: {  	v53 =	vld [tilespmem:s31+$0x20];
	v7 =	vmul.f32 v7, v17;
	v8 =	vadd.f32 v8, v9  }
0x173: {  	v54 =	vld [tilespmem:s18+$0x30];
	v11 =	vmul.f32 v46, v19;
	v12 =	vadd.f32 v51, v12  }
0x174: {  	v55 =	vld [tilespmem:s31+$0x30];
	v6 =	vmul.f32 v6, v19;
	v7 =	vadd.f32 v7, v8  }
0x175: {  	v10 =	vmul.f32 v50, v49;
	v11 =	vadd.f32 v11, v12  }
0x176: {  	v5 =	vmul.f32 v5, v49;
	v6 =	vadd.f32 v6, v7  }
0x177: {  	v9 =	vmul.f32 v53, v52;
	v56 =	vadd.f32 v10, v11  }
0x178: {  	v2 =	vmul.f32 v2, v52;
	v5 =	vadd.f32 v5, v6  }
0x179: {  	v58 =	vmul.f32 v55, v54;
	v57 =	vadd.f32 v9, v56  }
0x17a: {  	v1 =	vmul.f32 v1, v54;
	v2 =	vadd.f32 v2, v5  }
0x17b: {  	v59 =	vadd.f32 v58, v57  }
0x17c: {  	v1 =	vadd.f32 v1, v2  }
0x17d: {  	(xrf2) =	vadd.scan.msk.f32 $0xffff, v59  }
0x17e: {  	(xrf2) =	vadd.scan.msk.f32 $0xffff, v1;
	_ =	sdelay $0x6  }
0x17f: {  	v1, _, _ =	vpop (xrf2)  }
0x180: {  	s5 =	sshll.u32 s0, $0x4;
	s0 =	sadd.s32 $0x1, s0;
	v2, _, _ =	vpop (xrf2)  }
0x181: {  	v60 =	vmov s17;
	v62 =	vmov s23;
	p0 =	sne.s32 s0, $0x8;
	v1 =	vbroadcast v1, $0xF;
	v5, _, _ =	vpop (xrf2)  }
.Ltmp5:
0x182: {  	vm0 =	veq.s32 v60, v0;
	v2 =	vbroadcast v2, $0xF;
	v61, _, _ =	vpop (xrf2);
	v63 =	vbroadcast v5, $0xF;
	(pc) =	sbr.rel @p0 .LBB2_10-.Ltmp5, $4  }
0x183: {  	vm1 =	veq.s32 v62, v0;
	v1 =	vsel vm0, v1, v3;
	v7 =	vbroadcast v61, $0xF  }
0x184: {  	v2 =	vsel vm0, v2, v4;
	v1 =	vsel vm1, v63, v1  }
0x185: {  	v2 =	vsel vm1, v7, v2;
	[tilespmem:s5+$0x18900] =	vst v1  }
0x186: {  	s3 =	sadd.s32 $0x800, s3;
	s21 =	sadd.s32 $0x800, s21;
	s30 =	sadd.s32 $0x800, s30;
	[tilespmem:s5+$0x18700] =	vst v2  }
0x187: {  	s30 =	simm.s32 $0x0;
	s0 =	simm.s32 $0x18700  }
0x188: {  	[hbm4b:s12+s30] =	stream.linear.scatter [tilespmem:s0], [sflag:$0x3], $0x80, $0x38;
	[tilespmem:$0x18A00] =	vst v63  }
0x189: {  	s23 =	simm.s32 $0x18900  }
0x18a: {  	[hbm4b:s13+s30] =	stream.linear.scatter [tilespmem:s23], [sflag:$0x3], $0x80, $0x38;
	[tilespmem:$0x18A00] =	vst v63  }
0x18b: {  	_ =	swait.ge [sflag:s22], $0x4000  }
0x18c: {  	[sflag:s22] =	ssyncset.done $0x0  }
0x18d: {  	[sflag:s22] =	ssyncadd.s32 $0xFFFFC000  }
0x18e: {  	_ =	swait.ge [sflag:s22], $0x4000  }
0x18f: {  	[sflag:s22] =	ssyncset.done $0x0  }
0x190: {  	[sflag:s22] =	ssyncadd.s32 $0xFFFFC000  }
0x191: {  	_ =	swait.ge [sflag:s22], $0x4000  }
0x192: {  	s3 =	simm.s32 $0x8600;
	s31 =	simm.s32 $0x10600;
	[sflag:s22] =	ssyncset.done $0x0  }
0x193: {  	s21 =	simm.s32 $0x0;
	s0 =	simm.s32 $0x600;
	[sflag:s22] =	ssyncadd.s32 $0xFFFFC000  }
.LBB2_14:
0x194: {  	v2 =	vmov s0  }
0x195: {  	v1 =	vmov s31;
	_ =	sdelay $0x2  }
0x196: {  	s6 =	simm.s32 $0x0  }
0x197: {  	v4 =	vld.idx.msk [tilespmem:v2+s6+$0x4000 ss:$0x1], $0xffff  }
0x198: {  	v5 =	vld.idx.msk [tilespmem:v1+s6+$0x4000 ss:$0x1], $0xffff  }
0x199: {  	v6 =	vld.idx.msk [tilespmem:v2+s6+$0x4010 ss:$0x1], $0xffff  }
0x19a: {  	v7 =	vld.idx.msk [tilespmem:v1+s6+$0x4010 ss:$0x1], $0xffff  }
0x19b: {  	v8 =	vld.idx.msk [tilespmem:v2+s6+$0x4020 ss:$0x1], $0xffff  }
0x19c: {  	v9 =	vld.idx.msk [tilespmem:v1+s6+$0x4020 ss:$0x1], $0xffff  }
0x19d: {  	v10 =	vld.idx.msk [tilespmem:v2+s6+$0x4030 ss:$0x1], $0xffff  }
0x19e: {  	v11 =	vld.idx.msk [tilespmem:v1+s6+$0x4030 ss:$0x1], $0xffff  }
0x19f: {  	v12 =	vld.idx.msk [tilespmem:v2+s6+$0x4040 ss:$0x1], $0xffff  }
0x1a0: {  	v13 =	vld.idx.msk [tilespmem:v1+s6+$0x4040 ss:$0x1], $0xffff  }
0x1a1: {  	v14 =	vld.idx.msk [tilespmem:v2+s6+$0x4050 ss:$0x1], $0xffff  }
0x1a2: {  	v3 =	vmov s3;
	v15 =	vld.idx.msk [tilespmem:v1+s6+$0x4050 ss:$0x1], $0xffff  }
0x1a3: {  	v16 =	vld.idx.msk [tilespmem:v2+s6+$0x4060 ss:$0x1], $0xffff  }
0x1a4: {  	v17 =	vld.idx.msk [tilespmem:v1+s6+$0x4060 ss:$0x1], $0xffff  }
0x1a5: {  	v18 =	vld.idx.msk [tilespmem:v2+s6+$0x4070 ss:$0x1], $0xffff  }
0x1a6: {  	v19 =	vld.idx.msk [tilespmem:v1+s6+$0x4070 ss:$0x1], $0xffff  }
0x1a7: {  	v20 =	vld.idx.msk [tilespmem:v3+s6+$0x4000 ss:$0x1], $0xffff  }
0x1a8: {  	v21 =	vld.idx.msk [tilespmem:v3+s6+$0x4010 ss:$0x1], $0xffff  }
0x1a9: {  	v22 =	vld.idx.msk [tilespmem:v3+s6+$0x4020 ss:$0x1], $0xffff  }
0x1aa: {  	v23 =	vld.idx.msk [tilespmem:v3+s6+$0x4030 ss:$0x1], $0xffff;
	v5 =	vmul.f32 v5, v4;
	v7 =	vmul.f32 v7, v6  }
0x1ab: {  	v24 =	vld.idx.msk [tilespmem:v3+s6+$0x4040 ss:$0x1], $0xffff  }
0x1ac: {  	s5 =	simm.s32 $0x80;
	v25 =	vld.idx.msk [tilespmem:v3+s6+$0x4060 ss:$0x1], $0xffff;
	v5 =	vadd.f32 v7, v5;
	v7 =	vmul.f32 v9, v8  }
0x1ad: {  	v59 =	vld.idx.msk [tilespmem:v2+s5+$0x4010 ss:$0x1], $0xffff;
	v4 =	vmul.f32 v20, v4;
	v6 =	vmul.f32 v21, v6  }
0x1ae: {  	v20 =	vld.idx.msk [tilespmem:v2+s5+$0x4000 ss:$0x1], $0xffff;
	v5 =	vadd.f32 v7, v5;
	v7 =	vmul.f32 v11, v10  }
0x1af: {  	v9 =	vld.idx.msk [tilespmem:v3+s6+$0x4050 ss:$0x1], $0xffff;
	v8 =	vmul.f32 v22, v8;
	v4 =	vadd.f32 v6, v4  }
0x1b0: {  	v6 =	vmul.f32 v15, v14;
	v15 =	vld.idx.msk [tilespmem:v2+s5+$0x4020 ss:$0x1], $0xffff;
	v5 =	vadd.f32 v7, v5;
	v7 =	vmul.f32 v13, v12  }
0x1b1: {  	v11 =	vld.idx.msk [tilespmem:v3+s6+$0x4070 ss:$0x1], $0xffff;
	v10 =	vmul.f32 v23, v10;
	v4 =	vadd.f32 v8, v4  }
0x1b2: {  	v13 =	vld.idx.msk [tilespmem:v1+s5+$0x4000 ss:$0x1], $0xffff;
	v5 =	vadd.f32 v7, v5  }
0x1b3: {  	v12 =	vmul.f32 v24, v12;
	v4 =	vadd.f32 v10, v4;
	v7 =	vld.idx.msk [tilespmem:v1+s5+$0x4010 ss:$0x1], $0xffff  }
0x1b4: {  	v8 =	vld.idx.msk [tilespmem:v1+s5+$0x4020 ss:$0x1], $0xffff;
	v5 =	vadd.f32 v6, v5;
	v6 =	vmul.f32 v17, v16  }
0x1b5: {  	v10 =	vld.idx.msk [tilespmem:v2+s5+$0x4030 ss:$0x1], $0xffff;
	v9 =	vmul.f32 v9, v14;
	v4 =	vadd.f32 v12, v4  }
0x1b6: {  	v14 =	vld.idx.msk [tilespmem:v2+s5+$0x4040 ss:$0x1], $0xffff;
	v5 =	vadd.f32 v6, v5;
	v6 =	vmul.f32 v19, v18  }
0x1b7: {  	v12 =	vmul.f32 v25, v16;
	v17 =	vld.idx.msk [tilespmem:v1+s5+$0x4030 ss:$0x1], $0xffff;
	v4 =	vadd.f32 v9, v4  }
0x1b8: {  	v16 =	vld.idx.msk [tilespmem:v1+s5+$0x4040 ss:$0x1], $0xffff;
	v13 =	vmul.f32 v13, v20;
	v7 =	vmul.f32 v7, v59;
	v5 =	vadd.f32 v6, v5  }
0x1b9: {  	v8 =	vmul.f32 v8, v15;
	v9 =	vld.idx.msk [tilespmem:v1+s5+$0x4050 ss:$0x1], $0xffff;
	v4 =	vadd.f32 v12, v4  }
0x1ba: {  	v12 =	vld.idx.msk [tilespmem:v1+s5+$0x4060 ss:$0x1], $0xffff;
	(xrf2) =	vadd.scan.msk.f32 $0xffff, v5;
	v5 =	vmul.f32 v11, v18;
	v11 =	vadd.f32 v7, v13  }
0x1bb: {  	v6 =	vld.idx.msk [tilespmem:v2+s5+$0x4050 ss:$0x1], $0xffff  }
0x1bc: {  	v7 =	vld.idx.msk [tilespmem:v2+s5+$0x4060 ss:$0x1], $0xffff;
	v13 =	vmul.f32 v17, v10;
	v11 =	vadd.f32 v8, v11  }
0x1bd: {  	v8 =	vld.idx.msk [tilespmem:v2+s5+$0x4070 ss:$0x1], $0xffff;
	v4 =	vadd.f32 v5, v4  }
0x1be: {  	v5 =	vld.idx.msk [tilespmem:v1+s5+$0x4070 ss:$0x1], $0xffff;
	v11 =	vadd.f32 v13, v11;
	v13 =	vmul.f32 v16, v14  }
0x1bf: {  	v16 =	vld.idx.msk [tilespmem:v3+s5+$0x4000 ss:$0x1], $0xffff;
	(xrf2) =	vadd.scan.msk.f32 $0xffff, v4  }
0x1c0: {  	v9 =	vmul.f32 v9, v6;
	v4 =	vld.idx.msk [tilespmem:v3+s5+$0x4010 ss:$0x1], $0xffff;
	v11 =	vadd.f32 v13, v11  }
0x1c1: {  	v60 =	vld.idx.msk [tilespmem:v3+s5+$0x4030 ss:$0x1], $0xffff  }
0x1c2: {  	v61 =	vld.idx.msk [tilespmem:v3+s5+$0x4040 ss:$0x1], $0xffff;
	v9 =	vadd.f32 v9, v11;
	v11 =	vmul.f32 v12, v7  }
0x1c3: {  	v17 =	vld.idx.msk [tilespmem:v3+s5+$0x4020 ss:$0x1], $0xffff  }
0x1c4: {  	v13 =	vld.idx.msk [tilespmem:v3+s5+$0x4050 ss:$0x1], $0xffff;
	v19 =	vmul.f32 v5, v8;
	v9 =	vadd.f32 v11, v9  }
0x1c5: {  	v62 =	vmov s30;
	v16 =	vmul.f32 v16, v20;
	v20 =	vmul.f32 v4, v59;
	v12, _, _ =	vpop (xrf2);
	v11 =	vld.idx.msk [tilespmem:v3+s5+$0x4070 ss:$0x1], $0xffff  }
0x1c6: {  	s17 =	simm.s32 $0x100;
	vm0 =	veq.s32 v62, v0;
	v18 =	vbroadcast v12, $0xF;
	v12 =	vld.idx.msk [tilespmem:v3+s5+$0x4060 ss:$0x1], $0xffff;
	v63 =	vadd.f32 v19, v9  }
0x1c7: {  	v5 =	vimm.f32 $0.0e+00;
	v9 =	vld.idx.msk [tilespmem:v2+s17+$0x4000 ss:$0x1], $0xffff;
	v19 =	vadd.f32 v20, v16;
	v16 =	vmul.f32 v60, v10  }
0x1c8: {  	v10 =	vld.idx.msk [tilespmem:v2+s17+$0x4010 ss:$0x1], $0xffff;
	v4 =	vsel vm0, v18, v5;
	v18 =	vmul.f32 v17, v15;
	(xrf2) =	vadd.scan.msk.f32 $0xffff, v63  }
0x1c9: {  	s23 =	simm.s32 $0x0;
	s5 =	simm.s32 $0x600;
	v17 =	vld.idx.msk [tilespmem:v1+s17+$0x4000 ss:$0x1], $0xffff;
	v15 =	vmul.f32 v61, v14;
	v14, _, _ =	vpop (xrf2)  }
.LBB2_15:
0x1ca: {  	p0 =	sne.s32 s5, $0x1E00;
	v20 =	vld.idx.msk [tilespmem:v1+s17+$0x4010 ss:$0x1], $0xffff;
	v18 =	vadd.f32 v18, v19;
	v6 =	vmul.f32 v13, v6;
	v13 =	vbroadcast v14, $0xF  }
0x1cb: {  	v7 =	vmul.f32 v12, v7;
	v14 =	vld.idx.msk [tilespmem:v2+s17+$0x4020 ss:$0x1], $0xffff  }
0x1cc: {  	v11 =	vmul.f32 v11, v8;
	v12 =	vld.idx.msk [tilespmem:v1+s17+$0x4020 ss:$0x1], $0xffff;
	v16 =	vadd.f32 v16, v18;
	v5 =	vsel vm0, v13, v5  }
0x1cd: {  	v21 =	vld.idx.msk [tilespmem:v2+s17+$0x4030 ss:$0x1], $0xffff  }
0x1ce: {  	v8 =	vld.idx.msk [tilespmem:v1+s17+$0x4030 ss:$0x1], $0xffff;
	v13 =	vadd.f32 v15, v16  }
0x1cf: {  	v15 =	vld.idx.msk [tilespmem:v2+s17+$0x4040 ss:$0x1], $0xffff  }
0x1d0: {  	v16 =	vmul.f32 v17, v9;
	v17 =	vmul.f32 v20, v10;
	v18 =	vld.idx.msk [tilespmem:v1+s17+$0x4040 ss:$0x1], $0xffff;
	v13 =	vadd.f32 v6, v13  }
0x1d1: {  	v6 =	vld.idx.msk [tilespmem:v2+s17+$0x4050 ss:$0x1], $0xffff  }
0x1d2: {  	s23 =	sadd.s32 $0x1, s23;
	v16 =	vadd.f32 v17, v16;
	v12 =	vmul.f32 v12, v14;
	v17 =	vld.idx.msk [tilespmem:v1+s17+$0x4050 ss:$0x1], $0xffff;
	v13 =	vadd.f32 v7, v13;
	v19, _, _ =	vpop (xrf2)  }
0x1d3: {  	v20 =	vmov s23;
	v7 =	vld.idx.msk [tilespmem:v2+s17+$0x4060 ss:$0x1], $0xffff;
	v19 =	vbroadcast v19, $0xF  }
0x1d4: {  	vm0 =	veq.s32 v20, v0;
	v12 =	vadd.f32 v12, v16;
	v16 =	vmul.f32 v8, v21;
	v22 =	vld.idx.msk [tilespmem:v1+s17+$0x4060 ss:$0x1], $0xffff  }
0x1d5: {  	v11 =	vadd.f32 v11, v13;
	v8 =	vld.idx.msk [tilespmem:v2+s17+$0x4070 ss:$0x1], $0xffff;
	v4 =	vsel vm0, v19, v4  }
0x1d6: {  	v12 =	vadd.f32 v16, v12;
	v13 =	vmul.f32 v18, v15;
	v16 =	vld.idx.msk [tilespmem:v1+s17+$0x4070 ss:$0x1], $0xffff  }
0x1d7: {  	v18 =	vld.idx.msk [tilespmem:v3+s17+$0x4000 ss:$0x1], $0xffff;
	(xrf2) =	vadd.scan.msk.f32 $0xffff, v11  }
0x1d8: {  	v12 =	vadd.f32 v13, v12;
	v13 =	vmul.f32 v17, v6;
	v11 =	vld.idx.msk [tilespmem:v3+s17+$0x4010 ss:$0x1], $0xffff  }
0x1d9: {  	v17 =	vld.idx.msk [tilespmem:v3+s17+$0x4020 ss:$0x1], $0xffff  }
0x1da: {  	v12 =	vadd.f32 v13, v12;
	v19 =	vmul.f32 v22, v7;
	v20 =	vld.idx.msk [tilespmem:v3+s17+$0x4030 ss:$0x1], $0xffff  }
0x1db: {  	v22 =	vld.idx.msk [tilespmem:v3+s17+$0x4040 ss:$0x1], $0xffff  }
0x1dc: {  	v19 =	vadd.f32 v19, v12;
	v16 =	vmul.f32 v16, v8;
	v13 =	vld.idx.msk [tilespmem:v3+s17+$0x4050 ss:$0x1], $0xffff  }
.Ltmp6:
0x1dd: {  	v23 =	vmul.f32 v18, v9;
	v12 =	vld.idx.msk [tilespmem:v3+s17+$0x4060 ss:$0x1], $0xffff;
	(pc) =	sbr.rel @p0 .LBB2_15-.Ltmp6, $4  }
0x1de: {  	v10 =	vmul.f32 v11, v10;
	v24 =	vadd.f32 v16, v19;
	v11 =	vld.idx.msk [tilespmem:v3+s17+$0x4070 ss:$0x1], $0xffff;
	s17 =	sshra.s32 s5, $0x2  }
0x1df: {  	v18 =	vmul.f32 v17, v14;
	v9 =	vld.idx.msk [tilespmem:v2+s17+$0x4000 ss:$0x1], $0xffff  }
0x1e0: {  	v19 =	vadd.f32 v10, v23;
	v16 =	vmul.f32 v20, v21;
	v17 =	vld.idx.msk [tilespmem:v1+s17+$0x4000 ss:$0x1], $0xffff;
	(xrf2) =	vadd.scan.msk.f32 $0xffff, v24  }
0x1e1: {  	s5 =	sadd.s32 $0x200, s5;
	v15 =	vmul.f32 v22, v15;
	v10 =	vld.idx.msk [tilespmem:v2+s17+$0x4010 ss:$0x1], $0xffff;
	v14, _, _ =	vpop (xrf2)  }
0x1e2: {  	_ =	sdelay $0x3  }
0x1e3: {  	v20 =	vld.idx.msk [tilespmem:v1+s17+$0x4010 ss:$0x1], $0xffff  }
0x1e4: {  	v21 =	vld.idx.msk [tilespmem:v2+s17+$0x4020 ss:$0x1], $0xffff  }
0x1e5: {  	v22 =	vld.idx.msk [tilespmem:v1+s17+$0x4020 ss:$0x1], $0xffff  }
0x1e6: {  	v23 =	vld.idx.msk [tilespmem:v2+s17+$0x4030 ss:$0x1], $0xffff  }
0x1e7: {  	v24 =	vld.idx.msk [tilespmem:v1+s17+$0x4030 ss:$0x1], $0xffff  }
0x1e8: {  	v25 =	vld.idx.msk [tilespmem:v2+s17+$0x4040 ss:$0x1], $0xffff  }
0x1e9: {  	v26 =	vld.idx.msk [tilespmem:v1+s17+$0x4040 ss:$0x1], $0xffff  }
0x1ea: {  	v27 =	vld.idx.msk [tilespmem:v3+s17+$0x4000 ss:$0x1], $0xffff  }
0x1eb: {  	v28 =	vld.idx.msk [tilespmem:v3+s17+$0x4010 ss:$0x1], $0xffff  }
0x1ec: {  	v29 =	vld.idx.msk [tilespmem:v2+s17+$0x4050 ss:$0x1], $0xffff  }
0x1ed: {  	v30 =	vld.idx.msk [tilespmem:v3+s17+$0x4020 ss:$0x1], $0xffff  }
0x1ee: {  	v31 =	vld.idx.msk [tilespmem:v1+s17+$0x4050 ss:$0x1], $0xffff  }
0x1ef: {  	v32 =	vld.idx.msk [tilespmem:v3+s17+$0x4030 ss:$0x1], $0xffff;
	v17 =	vmul.f32 v17, v9;
	v20 =	vmul.f32 v20, v10  }
0x1f0: {  	v43 =	vld.idx.msk [tilespmem:v2+s17+$0x4060 ss:$0x1], $0xffff;
	v41 =	vmul.f32 v27, v9;
	v42 =	vmul.f32 v28, v10  }
0x1f1: {  	v45 =	vld.idx.msk [tilespmem:v3+s17+$0x4040 ss:$0x1], $0xffff;
	v18 =	vadd.f32 v18, v19;
	v44 =	vmul.f32 v22, v21;
	v17 =	vadd.f32 v20, v17  }
0x1f2: {  	v47 =	vld.idx.msk [tilespmem:v1+s17+$0x4060 ss:$0x1], $0xffff;
	v46 =	vmul.f32 v30, v21;
	v9 =	vadd.f32 v42, v41  }
0x1f3: {  	v49 =	vld.idx.msk [tilespmem:v3+s17+$0x4050 ss:$0x1], $0xffff;
	v16 =	vadd.f32 v16, v18;
	v48 =	vmul.f32 v24, v23;
	v17 =	vadd.f32 v44, v17  }
0x1f4: {  	v2 =	vld.idx.msk [tilespmem:v2+s17+$0x4070 ss:$0x1], $0xffff;
	v6 =	vmul.f32 v13, v6;
	v50 =	vmul.f32 v32, v23;
	v9 =	vadd.f32 v46, v9  }
0x1f5: {  	v53 =	vld.idx.msk [tilespmem:v3+s17+$0x4060 ss:$0x1], $0xffff;
	v15 =	vadd.f32 v15, v16;
	v52 =	vmul.f32 v26, v25;
	v51 =	vadd.f32 v48, v17  }
0x1f6: {  	v1 =	vld.idx.msk [tilespmem:v1+s17+$0x4070 ss:$0x1], $0xffff;
	v7 =	vmul.f32 v12, v7;
	v54 =	vmul.f32 v45, v25;
	v9 =	vadd.f32 v50, v9  }
0x1f7: {  	v3 =	vld.idx.msk [tilespmem:v3+s17+$0x4070 ss:$0x1], $0xffff;
	v56 =	vmul.f32 v31, v29;
	v6 =	vadd.f32 v6, v15;
	v55 =	vadd.f32 v52, v51  }
0x1f8: {  	v8 =	vmul.f32 v11, v8;
	v57 =	vmul.f32 v49, v29;
	v9 =	vadd.f32 v54, v9  }
0x1f9: {  	v10 =	vmul.f32 v47, v43;
	v6 =	vadd.f32 v7, v6;
	v58 =	vadd.f32 v56, v55  }
0x1fa: {  	v59 =	vmul.f32 v53, v43;
	v9 =	vadd.f32 v57, v9  }
0x1fb: {  	v1 =	vmul.f32 v1, v2;
	v6 =	vadd.f32 v8, v6;
	v10 =	vadd.f32 v10, v58  }
0x1fc: {  	v2 =	vmul.f32 v3, v2;
	v3 =	vadd.f32 v59, v9  }
0x1fd: {  	(xrf2) =	vadd.scan.msk.f32 $0xffff, v6;
	v1 =	vadd.f32 v1, v10  }
0x1fe: {  	v2 =	vadd.f32 v2, v3  }
0x1ff: {  	(xrf2) =	vadd.scan.msk.f32 $0xffff, v1  }
0x200: {  	(xrf2) =	vadd.scan.msk.f32 $0xffff, v2;
	_ =	sdelay $0x5  }
0x201: {  	v1, _, _ =	vpop (xrf2)  }
0x202: {  	s5 =	sadd.s32 $0x1, s23;
	v2 =	vbroadcast v14, $0xF;
	v3, _, _ =	vpop (xrf2)  }
0x203: {  	s23 =	sshll.u32 s21, $0x4;
	s21 =	sadd.s32 $0x1, s21;
	v61 =	vmov s5;
	v3 =	vbroadcast v3, $0xF  }
0x204: {  	s5 =	sadd.s32 $0x1, s5;
	p0 =	sne.s32 s21, $0x8;
	vm15 =	veq.s32 v61, v0;
	v2 =	vsel vm0, v2, v5;
	v1 =	vbroadcast v1, $0xF;
	v60, _, _ =	vpop (xrf2)  }
.Ltmp7:
0x205: {  	v63 =	vmov s5;
	v2 =	vsel vm15, v3, v2;
	v62, _, _ =	vpop (xrf2);
	v3 =	vbroadcast v60, $0xF;
	(pc) =	sbr.rel @p0 .LBB2_14-.Ltmp7, $4  }
0x206: {  	vm1 =	veq.s32 v63, v0;
	v1 =	vsel vm15, v1, v4;
	v7 =	vbroadcast v62, $0xF  }
0x207: {  	v1 =	vsel vm1, v3, v1  }
0x208: {  	v2 =	vsel vm1, v7, v2;
	[tilespmem:s23+$0x18980] =	vst v1  }
0x209: {  	s0 =	sadd.s32 $0x800, s0;
	s3 =	sadd.s32 $0x800, s3;
	s31 =	sadd.s32 $0x800, s31;
	[tilespmem:s23+$0x18780] =	vst v2  }
0x20a: {  	s0 =	simm.s32 $0x18780  }
0x20b: {  	[hbm4b:s14+s4] =	stream.linear.scatter [tilespmem:s0], [sflag:$0x3], $0x80, $0x38;
	[tilespmem:$0x18A00] =	vst v63  }
0x20c: {  	s31 =	simm.s32 $0x18980  }
0x20d: {  	[hbm4b:s15+s4] =	stream.linear.scatter [tilespmem:s31], [sflag:$0x3], $0x80, $0x38;
	[tilespmem:$0x18A00] =	vst v63  }
0x20e: {  	_ =	swait.ge [sflag:s25], $0x80  }
0x20f: {  	[sflag:s25] =	ssyncset.done $0x0  }
0x210: {  	[sflag:s25] =	ssyncadd.s32 $0xFFFFFF80  }
0x211: {  	_ =	swait.ge [sflag:s25], $0x80  }
0x212: {  	[sflag:s25] =	ssyncset.done $0x0  }
0x213: {  	[sflag:s25] =	ssyncadd.s32 $0xFFFFFF80  }
0x214: {  	_ =	swait.ge [sflag:s25], $0x80  }
0x215: {  	[sflag:s25] =	ssyncset.done $0x0  }
0x216: {  	[sflag:s25] =	ssyncadd.s32 $0xFFFFFF80  }
0x217: {  	_ =	swait.ge [sflag:s25], $0x80  }
0x218: {  	[sflag:s25] =	ssyncset.done $0x0  }
0x219: {  	[sflag:s25] =	ssyncadd.s32 $0xFFFFFF80  }
0x21a: {  	_ =	swait.ge [sflag:s25], $0x80  }
0x21b: {  	[sflag:s25] =	ssyncset.done $0x0  }
0x21c: {  	[sflag:s25] =	ssyncadd.s32 $0xFFFFFF80  }
0x21d: {  	_ =	swait.ge [sflag:s25], $0x80  }
0x21e: {  	[sflag:s25] =	ssyncset.done $0x0  }
0x21f: {  	s28 =	sadd.s32 $0x1, s28;
	[sflag:s25] =	ssyncadd.s32 $0xFFFFFF80  }
0x220: {  	p0 =	sne.s32 s28, s16;
	_ =	swait.ge [sflag:s25], $0x80  }
.Ltmp8:
0x221: {  	[sflag:s25] =	ssyncset.done $0x0;
	(pc) =	sbr.rel @p0 .LBB2_1-.Ltmp8, $4  }
0x222: {  	[sflag:s25] =	ssyncadd.s32 $0xFFFFFF80  }
0x223: {  	_ =	swait.ge [sflag:s25], $0x80  }
0x224: {  	[sflag:s25] =	ssyncset.done $0x0  }
0x225: {  	[sflag:s25] =	ssyncadd.s32 $0xFFFFFF80  }
0x226: {  	_ =	sfence.sel $0x180000  }
0x227: {  	[bflag:$0x0] =	sbarrier.arrive $0xFFFF  }
0x228: {  	_ =	strace $0x90000047  }
0x229: {  	s0 =	stileid.u32;
	[bflag:$0x2] =	sbarrier.arrive $0xFFFF  }
0x22a: {  	p0 =	sne.s32 s0, $0x0;
	s0 =	rddreg [dreg:$0x7]  }
0x22b: {  	s0 =	sadd.s32 @!p0 $0x100000, s0  }
0x22c: {  	[sflag:s0] =	ssyncadd.tile.s32 @!p0 $0x1;
	_ =	shalt  }
.Lfunc_end2:
_tile_overlayer_lowered:
.L_overlay_start_2:
0x22d: {  	(tag) =	ssettag $0x2  }
0x22e: {  	s0 =	rddreg [dreg:$0x0];
	s2 =	stileid.u32  }
0x22f: {  	s1 =	rddreg [dreg:$0x1];
	p0 =	sne.s32 s2, $0x0  }
0x230: {  	s3 =	rddreg [dreg:$0x2];
	[bflag:$0x3] =	sbarrier.arrive $0xFFFF;
	s2 =	simm.s32 @!p0 $0x1C04  }
0x231: {  	[timem:s3], [sflag:s2] =	dma.local @!p0 [hbm:s0], s1  }
0x232: {  	s0 =	simm.s32 @!p0 $0x4  }
0x233: {  	_ =	swait.ge @!p0 [sflag:s0], s1  }
0x234: {  	s1 =	ssub.s32 @!p0 $0x0, s1;
	[sflag:s0] =	ssyncset.done @!p0 $0x0  }
0x235: {  	[sflag:s0] =	ssyncadd.s32 @!p0 s1  }
0x236: {  	[bflag:$0x3] =	sbarrier.arrive $0xFFFF  }
0x237: {  	_ =	shalt  }

</sc_bundles>
